<compile_context>
chip_gen: v7x
topology: tpu7x:2x2x1
jax: 0.10.2.dev20260603
libtpu: 0.0.44.dev20260713+nightly
codegen_flags: <defaults>
</compile_context>

<pallas_src>
import functools

import jax
import jax.numpy as jnp
from jax import lax
from jax.experimental import pallas as pl
from jax.experimental.pallas import tpu as pltpu
from jax.experimental.pallas import tpu_sc as plsc

NC = 2
NS = 16
NW = NC * NS
L = 16

D = 128
K = 256
KH = 128
NBUF = 2


def _sc_lookup(idx2d, trainable, fixed):
    n_rows_total, kh = idx2d.shape
    assert kh == KH and n_rows_total % (2 * NW) == 0
    rows_w = n_rows_total // NW
    n_chunks = rows_w // 2
    n_chunks_total = n_chunks * NW
    assert n_chunks % NBUF == 0
    b_total = n_chunks_total * K
    train_n = trainable.shape[0]
    mesh = plsc.VectorSubcoreMesh(core_axis_name="c", subcore_axis_name="s")

    slot_scratch = []
    for _ in range(NBUF):
        slot_scratch += [
            pltpu.VMEM((KH,), jnp.int32),
            pltpu.VMEM((KH,), jnp.int32),
            pltpu.VMEM((K, D), jnp.float32),
            pltpu.VMEM((K + L,), jnp.int32),
            pltpu.VMEM((K + L,), jnp.int32),
            pltpu.SemaphoreType.DMA,
            pltpu.SemaphoreType.DMA,
        ]

    @functools.partial(
        pl.kernel,
        out_type=jax.ShapeDtypeStruct((b_total, D), jnp.float32),
        mesh=mesh,
        scratch_types=[pltpu.VMEM((2 * n_chunks, KH), jnp.int32)] + slot_scratch
        + [pltpu.SemaphoreType.DMA],
        compiler_params=pltpu.CompilerParams(needs_layout_passes=False),
    )
    def k_fn(idx_hbm, train_hbm, fixed_hbm, out_hbm, idxall, *rest):
        slots = [tuple(rest[i * 7:(i + 1) * 7]) for i in range(NBUF)]
        psem = rest[NBUF * 7]
        wid = lax.axis_index("s") * NC + lax.axis_index("c")
        row0 = wid * (n_chunks * K)
        pltpu.sync_copy(idx_hbm.at[pl.ds(wid * rows_w, rows_w)], idxall)

        def front(c, s):
            fidxA, fidxB, buf, jl, tl, gsem, _ = slots[s]

            def make_grp(fidx_h, goff, half):
                def grp(g, off):
                    v = idxall[2 * c + half, pl.ds((g - goff) * L, L)]
                    is_tr = v < train_n
                    jvec = lax.iota(jnp.int32, L) + g * L
                    spread = (row0 + c * K + jvec) & 0xFFFF
                    fidx_h[pl.ds((g - goff) * L, L)] = jnp.where(
                        is_tr, spread, v - train_n)
                    pfx = plsc.cumsum(is_tr.astype(jnp.int32))
                    lanes = off + pfx - 1
                    plsc.store_scatter(jl, [lanes], jvec, mask=is_tr)
                    plsc.store_scatter(tl, [lanes], v, mask=is_tr)
                    return off + pfx[L - 1]

                return grp

            off1 = lax.fori_loop(0, KH // L, make_grp(fidxA, 0, 0),
                                 jnp.int32(0))
            n_tr = lax.fori_loop(KH // L, K // L, make_grp(fidxB, KH // L, 1),
                                 off1)
            pltpu.async_copy(fixed_hbm.at[fidxA], buf.at[pl.ds(0, KH)], gsem)
            pltpu.async_copy(fixed_hbm.at[fidxB], buf.at[pl.ds(KH, KH)], gsem)
            return n_tr

        def finish(s, base, n_tr):
            fidxA, fidxB, buf, jl, tl, gsem, wsem = slots[s]
            pltpu.make_async_copy(fixed_hbm.at[fidxA], buf.at[pl.ds(0, KH)],
                                  gsem).wait()
            pltpu.make_async_copy(fixed_hbm.at[fidxB], buf.at[pl.ds(KH, KH)],
                                  gsem).wait()

            def patch_issue(i, _):
                j = jl[pl.ds(i, L)][0]
                t = tl[pl.ds(i, L)][0]
                pltpu.async_copy(train_hbm.at[t], buf.at[j], psem)
                return 0

            def patch_drain(i, _):
                pltpu.make_async_copy(train_hbm.at[0], buf.at[0], psem).wait()
                return 0

            lax.fori_loop(0, n_tr, patch_issue, 0)
            lax.fori_loop(0, n_tr, patch_drain, 0)
            pltpu.async_copy(buf, out_hbm.at[pl.ds(base, K)], wsem)

        def step(st, ntrs):
            ntrs = list(ntrs)
            for s in range(NBUF):
                c = st * NBUF + s
                buf_s, wsem_s = slots[s][2], slots[s][6]

                @pl.when(c >= NBUF)
                def _():
                    pltpu.make_async_copy(buf_s, out_hbm.at[pl.ds(row0, K)],
                                          wsem_s).wait()

                ntrs[s] = lax.cond(c < n_chunks, lambda c=c, s=s: front(c, s),
                                   lambda: jnp.int32(0))

                sf = (s + 1) % NBUF
                cf = c - (NBUF - 1)

                @pl.when((cf >= 0) & (cf < n_chunks))
                def _():
                    finish(sf, row0 + cf * K, ntrs[sf])

            return tuple(ntrs)

        lax.fori_loop(0, n_chunks // NBUF + 1, step,
                      (jnp.int32(0),) * NBUF)

    return k_fn(idx2d, trainable, fixed)


def kernel(indices, trainable_embedding, fixed_embedding):
    b, t = indices.shape
    idx2d = indices.reshape(-1, KH).astype(jnp.int32)
    out = _sc_lookup(idx2d, trainable_embedding, fixed_embedding)
    return out.reshape(b, t, D)

# --- scband reference (transcript-rebuilt; emitter-appended) ---
"""Pipeline reference for scband-partially-trainable-embedding-13795434955202 (READ-ONLY COPY).

The authoritative reference and input builder live on the scoring server;
editing this copy changes nothing except your own understanding.
"""

import jax, jax.numpy as jnp
import numpy as np

TRAINABLE_NUM = 1000
VOCAB = 100000
EMBED_DIM = 128
INIT_SCALE = 0.02

def setup_inputs(seed: int = 0) -> dict:
    key = jax.random.key(seed)
    k1, k2, k3 = jax.random.split(key, 3)
    indices = jax.random.randint(k1, (4096, 200), 0, VOCAB)
    trainable_embedding = jax.random.uniform(k2, (TRAINABLE_NUM, EMBED_DIM), minval=-INIT_SCALE, maxval=INIT_SCALE, dtype=jnp.float32)
    fixed_embedding = jax.random.uniform(k3, (VOCAB - TRAINABLE_NUM, EMBED_DIM), minval=-INIT_SCALE, maxval=INIT_SCALE, dtype=jnp.float32)
    return {"indices": indices, "trainable_embedding": trainable_embedding, "fixed_embedding": fixed_embedding}

def reference(indices, trainable_embedding, fixed_embedding):
    # Faithful to PartiallyTrainableEmbedding: embedding = concat([trainable, fixed]); lookup
    embedding = jnp.concatenate([trainable_embedding, fixed_embedding], axis=0)
    return jnp.take(embedding, indices, axis=0)

if __name__ == "__main__":
    import jax
    _d = setup_inputs()
    print(jax.jit(kernel)(*tuple(_d.values())))

</pallas_src>

<mosaic_0001>
#map = affine_map<(d0, d1) -> (0, 0)>
module attributes {stable_mosaic.version = 14 : i64} {
  func.func @k_fn(%arg0: i32, %arg1: i32, %arg2: memref<6400x128xi32, #tpu.memory_space<hbm>>, %arg3: memref<1000x128xf32, #tpu.memory_space<hbm>>, %arg4: memref<99000x128xf32, #tpu.memory_space<hbm>>, %arg5: memref<819200x128xf32, #tpu.memory_space<hbm>>, %arg6: memref<200x128xi32, #tpu.memory_space<vmem>>, %arg7: memref<128xi32, #tpu.memory_space<vmem>>, %arg8: memref<128xi32, #tpu.memory_space<vmem>>, %arg9: memref<256x128xf32, #tpu.memory_space<vmem>>, %arg10: memref<272xi32, #tpu.memory_space<vmem>>, %arg11: memref<272xi32, #tpu.memory_space<vmem>>, %arg12: memref<!tpu.dma_semaphore, #tpu.memory_space<semaphore_mem>>, %arg13: memref<!tpu.dma_semaphore, #tpu.memory_space<semaphore_mem>>, %arg14: memref<128xi32, #tpu.memory_space<vmem>>, %arg15: memref<128xi32, #tpu.memory_space<vmem>>, %arg16: memref<256x128xf32, #tpu.memory_space<vmem>>, %arg17: memref<272xi32, #tpu.memory_space<vmem>>, %arg18: memref<272xi32, #tpu.memory_space<vmem>>, %arg19: memref<!tpu.dma_semaphore, #tpu.memory_space<semaphore_mem>>, %arg20: memref<!tpu.dma_semaphore, #tpu.memory_space<semaphore_mem>>, %arg21: memref<!tpu.dma_semaphore, #tpu.memory_space<semaphore_mem>>) attributes {dimension_semantics = [#tpu.dimension_semantics<core_parallel>, #tpu.dimension_semantics<subcore_parallel>], iteration_bounds = array<i64: 2, 16>, scalar_prefetch = 0 : i64, scratch_operands = 16 : i64, tpu.core_type = #tpu.core_type<sc_vector_subcore>, window_params = [{transform_indices = #map}, {transform_indices = #map}, {transform_indices = #map}, {transform_indices = #map}]} {
    %mul3A = arith.constant 2 : i32
    %mul3A_0 = arith.muli %arg1, %mul3A : i32
    %add3A = arith.addi %mul3A_0, %arg0 : i32
    %mul3A_1 = arith.constant 25600 : i32
    %mul3A_2 = arith.muli %add3A, %mul3A_1 : i32
    %mul3A_3 = arith.constant 200 : i32
    %mul3A_4 = arith.muli %add3A, %mul3A_3 : i32
    "tpu.region"() ({
      %run_scoped3A = tpu.sem_alloc : memref<!tpu.dma_semaphore, #tpu.memory_space<semaphore_mem>>
      %dma_start3A = arith.constant 0 : i32
      %dma_start3A_12 = tpu.memref_slice %arg2[%mul3A_4, %dma_start3A] : memref<6400x128xi32, #tpu.memory_space<hbm>> -> memref<200x128xi32, #tpu.memory_space<hbm>>
      %dma_start3A_13 = arith.constant 0 : i32
      %dma_start3A_14 = tpu.memref_slice %arg2[%mul3A_4, %dma_start3A_13] : memref<6400x128xi32, #tpu.memory_space<hbm>> -> memref<200x128xi32, #tpu.memory_space<hbm>>
      tpu.enqueue_dma source(%dma_start3A_14 : memref<200x128xi32, #tpu.memory_space<hbm>>) target(%arg6 : memref<200x128xi32, #tpu.memory_space<vmem>>) target_semaphore(%run_scoped3A : memref<!tpu.dma_semaphore, #tpu.memory_space<semaphore_mem>>)
      %dma_wait3A = arith.constant 0 : i32
      %dma_wait3A_15 = tpu.memref_slice %arg2[%mul3A_4, %dma_wait3A] : memref<6400x128xi32, #tpu.memory_space<hbm>> -> memref<200x128xi32, #tpu.memory_space<hbm>>
      %dma_wait3A_16 = arith.constant 0 : i32
      %dma_wait3A_17 = tpu.memref_slice %arg2[%mul3A_4, %dma_wait3A_16] : memref<6400x128xi32, #tpu.memory_space<hbm>> -> memref<200x128xi32, #tpu.memory_space<hbm>>
      tpu.wait_dma2 semaphore(%run_scoped3A : memref<!tpu.dma_semaphore, #tpu.memory_space<semaphore_mem>>) src(%dma_wait3A_17 : memref<200x128xi32, #tpu.memory_space<hbm>>) dst(%arg6 : memref<200x128xi32, #tpu.memory_space<vmem>>)
      tpu.yield
    }) : () -> ()
    %scan3A = arith.constant 0 : i32
    %scan3A_5 = arith.constant 0 : i32
    %scan3A_6 = arith.constant 0 : i32
    %scan3A_7 = arith.constant 51 : i32
    %scan3A_8 = arith.addi %scan3A_6, %scan3A_7 : i32
    %scan3A_9 = arith.constant 1 : i32
    %scan3A_10:2 = scf.for %scan3A_12 = %scan3A_6 to %scan3A_8 step %scan3A_9 iter_args(%scan3A_13 = %scan3A, %scan3A_14 = %scan3A_5) -> (i32, i32)  : i32 {
      %mul3A_15 = arith.constant 2 : i32
      %mul3A_16 = arith.muli %scan3A_12, %mul3A_15 : i32
      %add3A_17 = arith.constant 0 : i32
      %add3A_18 = arith.addi %mul3A_16, %add3A_17 : i32
      %ge3A = arith.constant 2 : i32
      %ge3A_19 = arith.cmpi sge, %add3A_18, %ge3A : i32
      %convert_element_type3A = arith.extui %ge3A_19 : i1 to i32
      %cond3A = arith.constant 0 : i32
      %cond3A_20 = arith.cmpi ne, %convert_element_type3A, %cond3A : i32
      scf.if %cond3A_20 {
        %dma_wait3A = arith.constant 0 : i32
        %dma_wait3A_59 = tpu.memref_slice %arg5[%mul3A_2, %dma_wait3A] : memref<819200x128xf32, #tpu.memory_space<hbm>> -> memref<256x128xf32, #tpu.memory_space<hbm>>
        %dma_wait3A_60 = arith.constant 0 : i32
        %dma_wait3A_61 = tpu.memref_slice %arg5[%mul3A_2, %dma_wait3A_60] : memref<819200x128xf32, #tpu.memory_space<hbm>> -> memref<256x128xf32, #tpu.memory_space<hbm>>
        tpu.wait_dma2 semaphore(%arg13 : memref<!tpu.dma_semaphore, #tpu.memory_space<semaphore_mem>>) src(%arg9 : memref<256x128xf32, #tpu.memory_space<vmem>>) dst(%dma_wait3A_61 : memref<256x128xf32, #tpu.memory_space<hbm>>)
      } else {
      }
      %lt3A = arith.constant 100 : i32
      %lt3A_21 = arith.cmpi slt, %add3A_18, %lt3A : i32
      %convert_element_type3A_22 = arith.extui %lt3A_21 : i1 to i32
      %cond3A_23 = arith.constant 0 : i32
      %cond3A_24 = arith.cmpi ne, %convert_element_type3A_22, %cond3A_23 : i32
      %cond3A_25 = scf.if %cond3A_24 -> (i32) {
        %scan3A_59 = arith.constant 0 : i32
        %scan3A_60 = arith.constant 0 : i32
        %scan3A_61 = arith.constant 8 : i32
        %scan3A_62 = arith.addi %scan3A_60, %scan3A_61 : i32
        %scan3A_63 = arith.constant 1 : i32
        %scan3A_64 = scf.for %scan3A_83 = %scan3A_60 to %scan3A_62 step %scan3A_63 iter_args(%scan3A_84 = %scan3A_59) -> (i32)  : i32 {
          %mul3A_85 = arith.constant 2 : i32
          %mul3A_86 = arith.muli %mul3A_85, %add3A_18 : i32
          %add3A_87 = arith.constant 0 : i32
          %add3A_88 = arith.addi %mul3A_86, %add3A_87 : i32
          %sub3A_89 = arith.constant 0 : i32
          %sub3A_90 = arith.subi %scan3A_83, %sub3A_89 : i32
          %mul3A_91 = arith.constant 16 : i32
          %mul3A_92 = arith.muli %sub3A_90, %mul3A_91 : i32
          %get3A = arith.index_cast %add3A_88 : i32 to index
          %get3A_93 = arith.index_cast %mul3A_92 : i32 to index
          %get3A_94 = tpu.vector_load %arg6[%get3A, %get3A_93] {strides = array<i32>} : memref<200x128xi32, #tpu.memory_space<vmem>>, vector<16xi32>,
          %lt3A_95 = arith.constant 1000 : i32
          %lt3A_96 = vector.broadcast %lt3A_95 : i32 to vector<16xi32>
          %lt3A_97 = arith.cmpi slt, %get3A_94, %lt3A_96 : vector<16xi32>
          %iota3A = tpu.iota {dimensions = array<i32: 0>} : vector<16xi32>
          %mul3A_98 = arith.constant 16 : i32
          %mul3A_99 = arith.muli %scan3A_83, %mul3A_98 : i32
          %add3A_100 = vector.broadcast %mul3A_99 : i32 to vector<16xi32>
          %add3A_101 = arith.addi %iota3A, %add3A_100 : vector<16xi32>
          %mul3A_102 = arith.constant 256 : i32
          %mul3A_103 = arith.muli %add3A_18, %mul3A_102 : i32
          %add3A_104 = arith.addi %mul3A_2, %mul3A_103 : i32
          %add3A_105 = vector.broadcast %add3A_104 : i32 to vector<16xi32>
          %add3A_106 = arith.addi %add3A_105, %add3A_101 : vector<16xi32>
          %and3A_107 = arith.constant 65535 : i32
          %and3A_108 = vector.broadcast %and3A_107 : i32 to vector<16xi32>
          %and3A_109 = arith.andi %add3A_106, %and3A_108 : vector<16xi32>
          %sub3A_110 = arith.constant 1000 : i32
          %sub3A_111 = vector.broadcast %sub3A_110 : i32 to vector<16xi32>
          %sub3A_112 = arith.subi %get3A_94, %sub3A_111 : vector<16xi32>
          %select_n3A = arith.select %lt3A_97, %and3A_109, %sub3A_112 : vector<16xi1>, vector<16xi32>
          %sub3A_113 = arith.constant 0 : i32
          %sub3A_114 = arith.subi %scan3A_83, %sub3A_113 : i32
          %mul3A_115 = arith.constant 16 : i32
          %mul3A_116 = arith.muli %sub3A_114, %mul3A_115 : i32
          %swap3A = arith.index_cast %mul3A_116 : i32 to index
          %swap3A_117 = tpu.vector_load %arg7[%swap3A] {strides = array<i32>} : memref<128xi32, #tpu.memory_space<vmem>>, vector<16xi32>,
          tpu.vector_store %arg7[%swap3A], %select_n3A {strides = array<i32>} : memref<128xi32, #tpu.memory_space<vmem>>, vector<16xi32>,
          %convert_element_type3A_118 = arith.extui %lt3A_97 : vector<16xi1> to vector<16xi32>
          %broadcast_in_dim3A = arith.constant true
          %broadcast_in_dim3A_119 = vector.broadcast %broadcast_in_dim3A : i1 to vector<16xi1>
          %masked_cumsum3A = tpu.scan <sum>, %convert_element_type3A_118 masked %broadcast_in_dim3A_119 : vector<16xi32>, vector<16xi1> -> vector<16xi32>
          %add3A_120 = vector.broadcast %scan3A_84 : i32 to vector<16xi32>
          %add3A_121 = arith.addi %add3A_120, %masked_cumsum3A : vector<16xi32>
          %sub3A_122 = arith.constant 1 : i32
          %sub3A_123 = vector.broadcast %sub3A_122 : i32 to vector<16xi32>
          %sub3A_124 = arith.subi %add3A_121, %sub3A_123 : vector<16xi32>
          tpu.vector_store_idx %arg10[%sub3A_124], %add3A_101 masked %lt3A_97 : memref<272xi32, #tpu.memory_space<vmem>>[vector<16xi32>], vector<16xi32>, vector<16xi1>
          tpu.vector_store_idx %arg11[%sub3A_124], %get3A_94 masked %lt3A_97 : memref<272xi32, #tpu.memory_space<vmem>>[vector<16xi32>], vector<16xi32>, vector<16xi1>
          %slice3A = vector.extract_strided_slice %masked_cumsum3A {offsets = [15], sizes = [1], strides = [1]} : vector<16xi32> to vector<1xi32>
          %squeeze3A = vector.extract %slice3A[0] : i32 from vector<1xi32>
          %add3A_125 = arith.addi %scan3A_84, %squeeze3A : i32
          scf.yield %add3A_125 : i32
        }
        %scan3A_65 = arith.constant 8 : i32
        %scan3A_66 = arith.constant 8 : i32
        %scan3A_67 = arith.constant 8 : i32
        %scan3A_68 = arith.addi %scan3A_66, %scan3A_67 : i32
        %scan3A_69 = arith.constant 1 : i32
        %scan3A_70 = scf.for %scan3A_83 = %scan3A_66 to %scan3A_68 step %scan3A_69 iter_args(%scan3A_84 = %scan3A_64) -> (i32)  : i32 {
          %mul3A_85 = arith.constant 2 : i32
          %mul3A_86 = arith.muli %mul3A_85, %add3A_18 : i32
          %add3A_87 = arith.constant 1 : i32
          %add3A_88 = arith.addi %mul3A_86, %add3A_87 : i32
          %sub3A_89 = arith.constant 8 : i32
          %sub3A_90 = arith.subi %scan3A_83, %sub3A_89 : i32
          %mul3A_91 = arith.constant 16 : i32
          %mul3A_92 = arith.muli %sub3A_90, %mul3A_91 : i32
          %get3A = arith.index_cast %add3A_88 : i32 to index
          %get3A_93 = arith.index_cast %mul3A_92 : i32 to index
          %get3A_94 = tpu.vector_load %arg6[%get3A, %get3A_93] {strides = array<i32>} : memref<200x128xi32, #tpu.memory_space<vmem>>, vector<16xi32>,
          %lt3A_95 = arith.constant 1000 : i32
          %lt3A_96 = vector.broadcast %lt3A_95 : i32 to vector<16xi32>
          %lt3A_97 = arith.cmpi slt, %get3A_94, %lt3A_96 : vector<16xi32>
          %iota3A = tpu.iota {dimensions = array<i32: 0>} : vector<16xi32>
          %mul3A_98 = arith.constant 16 : i32
          %mul3A_99 = arith.muli %scan3A_83, %mul3A_98 : i32
          %add3A_100 = vector.broadcast %mul3A_99 : i32 to vector<16xi32>
          %add3A_101 = arith.addi %iota3A, %add3A_100 : vector<16xi32>
          %mul3A_102 = arith.constant 256 : i32
          %mul3A_103 = arith.muli %add3A_18, %mul3A_102 : i32
          %add3A_104 = arith.addi %mul3A_2, %mul3A_103 : i32
          %add3A_105 = vector.broadcast %add3A_104 : i32 to vector<16xi32>
          %add3A_106 = arith.addi %add3A_105, %add3A_101 : vector<16xi32>
          %and3A_107 = arith.constant 65535 : i32
          %and3A_108 = vector.broadcast %and3A_107 : i32 to vector<16xi32>
          %and3A_109 = arith.andi %add3A_106, %and3A_108 : vector<16xi32>
          %sub3A_110 = arith.constant 1000 : i32
          %sub3A_111 = vector.broadcast %sub3A_110 : i32 to vector<16xi32>
          %sub3A_112 = arith.subi %get3A_94, %sub3A_111 : vector<16xi32>
          %select_n3A = arith.select %lt3A_97, %and3A_109, %sub3A_112 : vector<16xi1>, vector<16xi32>
          %sub3A_113 = arith.constant 8 : i32
          %sub3A_114 = arith.subi %scan3A_83, %sub3A_113 : i32
          %mul3A_115 = arith.constant 16 : i32
          %mul3A_116 = arith.muli %sub3A_114, %mul3A_115 : i32
          %swap3A = arith.index_cast %mul3A_116 : i32 to index
          %swap3A_117 = tpu.vector_load %arg8[%swap3A] {strides = array<i32>} : memref<128xi32, #tpu.memory_space<vmem>>, vector<16xi32>,
          tpu.vector_store %arg8[%swap3A], %select_n3A {strides = array<i32>} : memref<128xi32, #tpu.memory_space<vmem>>, vector<16xi32>,
          %convert_element_type3A_118 = arith.extui %lt3A_97 : vector<16xi1> to vector<16xi32>
          %broadcast_in_dim3A = arith.constant true
          %broadcast_in_dim3A_119 = vector.broadcast %broadcast_in_dim3A : i1 to vector<16xi1>
          %masked_cumsum3A = tpu.scan <sum>, %convert_element_type3A_118 masked %broadcast_in_dim3A_119 : vector<16xi32>, vector<16xi1> -> vector<16xi32>
          %add3A_120 = vector.broadcast %scan3A_84 : i32 to vector<16xi32>
          %add3A_121 = arith.addi %add3A_120, %masked_cumsum3A : vector<16xi32>
          %sub3A_122 = arith.constant 1 : i32
          %sub3A_123 = vector.broadcast %sub3A_122 : i32 to vector<16xi32>
          %sub3A_124 = arith.subi %add3A_121, %sub3A_123 : vector<16xi32>
          tpu.vector_store_idx %arg10[%sub3A_124], %add3A_101 masked %lt3A_97 : memref<272xi32, #tpu.memory_space<vmem>>[vector<16xi32>], vector<16xi32>, vector<16xi1>
          tpu.vector_store_idx %arg11[%sub3A_124], %get3A_94 masked %lt3A_97 : memref<272xi32, #tpu.memory_space<vmem>>[vector<16xi32>], vector<16xi32>, vector<16xi1>
          %slice3A = vector.extract_strided_slice %masked_cumsum3A {offsets = [15], sizes = [1], strides = [1]} : vector<16xi32> to vector<1xi32>
          %squeeze3A = vector.extract %slice3A[0] : i32 from vector<1xi32>
          %add3A_125 = arith.addi %scan3A_84, %squeeze3A : i32
          scf.yield %add3A_125 : i32
        }
        %scan3A_71 = arith.constant 8 : i32
        %dma_start3A = arith.constant 0 : i32
        %dma_start3A_72 = arith.constant 0 : i32
        %dma_start3A_73 = tpu.memref_slice %arg9[%dma_start3A, %dma_start3A_72] : memref<256x128xf32, #tpu.memory_space<vmem>> -> memref<128x128xf32, #tpu.memory_space<vmem>>
        %dma_start3A_74 = arith.constant 0 : i32
        %dma_start3A_75 = arith.constant 0 : i32
        %dma_start3A_76 = tpu.memref_slice %arg4[%dma_start3A_74, %dma_start3A_75] : memref<99000x128xf32, #tpu.memory_space<hbm>> -> memref<99000x128xf32, #tpu.memory_space<hbm>>
        tpu.enqueue_indirect_dma source(%dma_start3A_76 : memref<99000x128xf32, #tpu.memory_space<hbm>>) target(%dma_start3A_73 : memref<128x128xf32, #tpu.memory_space<vmem>>) offsets(%arg7 : memref<128xi32, #tpu.memory_space<vmem>>) semaphore(%arg12 : memref<!tpu.dma_semaphore, #tpu.memory_space<semaphore_mem>>)
        %dma_start3A_77 = arith.constant 128 : i32
        %dma_start3A_78 = arith.constant 0 : i32
        %dma_start3A_79 = tpu.memref_slice %arg9[%dma_start3A_77, %dma_start3A_78] : memref<256x128xf32, #tpu.memory_space<vmem>> -> memref<128x128xf32, #tpu.memory_space<vmem>>
        %dma_start3A_80 = arith.constant 0 : i32
        %dma_start3A_81 = arith.constant 0 : i32
        %dma_start3A_82 = tpu.memref_slice %arg4[%dma_start3A_80, %dma_start3A_81] : memref<99000x128xf32, #tpu.memory_space<hbm>> -> memref<99000x128xf32, #tpu.memory_space<hbm>>
        tpu.enqueue_indirect_dma source(%dma_start3A_82 : memref<99000x128xf32, #tpu.memory_space<hbm>>) target(%dma_start3A_79 : memref<128x128xf32, #tpu.memory_space<vmem>>) offsets(%arg8 : memref<128xi32, #tpu.memory_space<vmem>>) semaphore(%arg12 : memref<!tpu.dma_semaphore, #tpu.memory_space<semaphore_mem>>)
        scf.yield %scan3A_70 : i32
      } else {
        %cond3A_59 = arith.constant 0 : i32
        scf.yield %cond3A_59 : i32
      }
      %sub3A = arith.constant 1 : i32
      %sub3A_26 = arith.subi %add3A_18, %sub3A : i32
      %ge3A_27 = arith.constant 0 : i32
      %ge3A_28 = arith.cmpi sge, %sub3A_26, %ge3A_27 : i32
      %lt3A_29 = arith.constant 100 : i32
      %lt3A_30 = arith.cmpi slt, %sub3A_26, %lt3A_29 : i32
      %and3A = arith.andi %ge3A_28, %lt3A_30 : i1
      %convert_element_type3A_31 = arith.extui %and3A : i1 to i32
      %cond3A_32 = arith.constant 0 : i32
      %cond3A_33 = arith.cmpi ne, %convert_element_type3A_31, %cond3A_32 : i32
      scf.if %cond3A_33 {
        %mul3A_59 = arith.constant 256 : i32
        %mul3A_60 = arith.muli %sub3A_26, %mul3A_59 : i32
        %add3A_61 = arith.addi %mul3A_2, %mul3A_60 : i32
        %dma_wait3A = arith.constant 0 : i32
        %dma_wait3A_62 = arith.constant 0 : i32
        %dma_wait3A_63 = tpu.memref_slice %arg16[%dma_wait3A, %dma_wait3A_62] : memref<256x128xf32, #tpu.memory_space<vmem>> -> memref<128x128xf32, #tpu.memory_space<vmem>>
        %dma_wait3A_64 = arith.constant 0 : i32
        %dma_wait3A_65 = arith.constant 0 : i32
        %dma_wait3A_66 = tpu.memref_slice %arg4[%dma_wait3A_64, %dma_wait3A_65] : memref<99000x128xf32, #tpu.memory_space<hbm>> -> memref<99000x128xf32, #tpu.memory_space<hbm>>
        tpu.wait_indirect_dma semaphore(%arg19 : memref<!tpu.dma_semaphore, #tpu.memory_space<semaphore_mem>>) src(%dma_wait3A_66 : memref<99000x128xf32, #tpu.memory_space<hbm>>) dst(%dma_wait3A_63 : memref<128x128xf32, #tpu.memory_space<vmem>>)
        %dma_wait3A_67 = arith.constant 128 : i32
        %dma_wait3A_68 = arith.constant 0 : i32
        %dma_wait3A_69 = tpu.memref_slice %arg16[%dma_wait3A_67, %dma_wait3A_68] : memref<256x128xf32, #tpu.memory_space<vmem>> -> memref<128x128xf32, #tpu.memory_space<vmem>>
        %dma_wait3A_70 = arith.constant 0 : i32
        %dma_wait3A_71 = arith.constant 0 : i32
        %dma_wait3A_72 = tpu.memref_slice %arg4[%dma_wait3A_70, %dma_wait3A_71] : memref<99000x128xf32, #tpu.memory_space<hbm>> -> memref<99000x128xf32, #tpu.memory_space<hbm>>
        tpu.wait_indirect_dma semaphore(%arg19 : memref<!tpu.dma_semaphore, #tpu.memory_space<semaphore_mem>>) src(%dma_wait3A_72 : memref<99000x128xf32, #tpu.memory_space<hbm>>) dst(%dma_wait3A_69 : memref<128x128xf32, #tpu.memory_space<vmem>>)
        %while3A = arith.constant 0 : i32
        %while3A_73 = arith.constant 0 : i32
        %while3A_74 = arith.subi %scan3A_14, %while3A : i32
        %while3A_75 = arith.addi %while3A, %while3A_74 : i32
        %while3A_76 = arith.constant 1 : i32
        %while3A_77 = arith.divsi %while3A_74, %while3A_76 : i32
        %while3A_78 = arith.muli %while3A_77, %while3A_76 : i32
        %while3A_79 = arith.addi %while3A, %while3A_78 : i32
        %while3A_80 = arith.constant 1 : i32
        %while3A_81 = scf.for %while3A_99 = %while3A to %while3A_79 step %while3A_80 iter_args(%while3A_100 = %while3A_73) -> (i32)  : i32 {
          %get3A = arith.index_cast %while3A_99 : i32 to index
          %get3A_101 = tpu.vector_load %arg17[%get3A] {strides = array<i32>} : memref<272xi32, #tpu.memory_space<vmem>>, vector<16xi32>,
          %slice3A = vector.extract_strided_slice %get3A_101 {offsets = [0], sizes = [1], strides = [1]} : vector<16xi32> to vector<1xi32>
          %squeeze3A = vector.extract %slice3A[0] : i32 from vector<1xi32>
          %get3A_102 = arith.index_cast %while3A_99 : i32 to index
          %get3A_103 = tpu.vector_load %arg18[%get3A_102] {strides = array<i32>} : memref<272xi32, #tpu.memory_space<vmem>>, vector<16xi32>,
          %slice3A_104 = vector.extract_strided_slice %get3A_103 {offsets = [0], sizes = [1], strides = [1]} : vector<16xi32> to vector<1xi32>
          %squeeze3A_105 = vector.extract %slice3A_104[0] : i32 from vector<1xi32>
          %dma_start3A_106 = arith.constant 0 : i32
          %dma_start3A_107 = tpu.memref_slice %arg16[%squeeze3A, %dma_start3A_106] : memref<256x128xf32, #tpu.memory_space<vmem>> -> memref<1x128xf32, #tpu.memory_space<vmem>>
          %dma_start3A_108 = tpu.memref_squeeze %dma_start3A_107 : memref<1x128xf32, #tpu.memory_space<vmem>> -> memref<128xf32, #tpu.memory_space<vmem>>
          %dma_start3A_109 = arith.constant 0 : i32
          %dma_start3A_110 = tpu.memref_slice %arg3[%squeeze3A_105, %dma_start3A_109] : memref<1000x128xf32, #tpu.memory_space<hbm>> -> memref<1x128xf32, #tpu.memory_space<hbm>>
          %dma_start3A_111 = tpu.memref_squeeze %dma_start3A_110 : memref<1x128xf32, #tpu.memory_space<hbm>> -> memref<128xf32, #tpu.memory_space<hbm>>
          %dma_start3A_112 = arith.constant 0 : i32
          %dma_start3A_113 = tpu.memref_slice %arg16[%squeeze3A, %dma_start3A_112] : memref<256x128xf32, #tpu.memory_space<vmem>> -> memref<1x128xf32, #tpu.memory_space<vmem>>
          %dma_start3A_114 = tpu.memref_squeeze %dma_start3A_113 : memref<1x128xf32, #tpu.memory_space<vmem>> -> memref<128xf32, #tpu.memory_space<vmem>>
          %dma_start3A_115 = arith.constant 0 : i32
          %dma_start3A_116 = tpu.memref_slice %arg3[%squeeze3A_105, %dma_start3A_115] : memref<1000x128xf32, #tpu.memory_space<hbm>> -> memref<1x128xf32, #tpu.memory_space<hbm>>
          %dma_start3A_117 = tpu.memref_squeeze %dma_start3A_116 : memref<1x128xf32, #tpu.memory_space<hbm>> -> memref<128xf32, #tpu.memory_space<hbm>>
          tpu.enqueue_dma source(%dma_start3A_117 : memref<128xf32, #tpu.memory_space<hbm>>) target(%dma_start3A_114 : memref<128xf32, #tpu.memory_space<vmem>>) target_semaphore(%arg21 : memref<!tpu.dma_semaphore, #tpu.memory_space<semaphore_mem>>)
          %while3A_118 = arith.constant 0 : i32
          scf.yield %while3A_118 : i32
        }
        %while3A_82 = arith.constant 1 : i32
        %while3A_83 = scf.for %while3A_99 = %while3A_79 to %while3A_75 step %while3A_82 iter_args(%while3A_100 = %while3A_81) -> (i32)  : i32 {
          %get3A = arith.index_cast %while3A_99 : i32 to index
          %get3A_101 = tpu.vector_load %arg17[%get3A] {strides = array<i32>} : memref<272xi32, #tpu.memory_space<vmem>>, vector<16xi32>,
          %slice3A = vector.extract_strided_slice %get3A_101 {offsets = [0], sizes = [1], strides = [1]} : vector<16xi32> to vector<1xi32>
          %squeeze3A = vector.extract %slice3A[0] : i32 from vector<1xi32>
          %get3A_102 = arith.index_cast %while3A_99 : i32 to index
          %get3A_103 = tpu.vector_load %arg18[%get3A_102] {strides = array<i32>} : memref<272xi32, #tpu.memory_space<vmem>>, vector<16xi32>,
          %slice3A_104 = vector.extract_strided_slice %get3A_103 {offsets = [0], sizes = [1], strides = [1]} : vector<16xi32> to vector<1xi32>
          %squeeze3A_105 = vector.extract %slice3A_104[0] : i32 from vector<1xi32>
          %dma_start3A_106 = arith.constant 0 : i32
          %dma_start3A_107 = tpu.memref_slice %arg16[%squeeze3A, %dma_start3A_106] : memref<256x128xf32, #tpu.memory_space<vmem>> -> memref<1x128xf32, #tpu.memory_space<vmem>>
          %dma_start3A_108 = tpu.memref_squeeze %dma_start3A_107 : memref<1x128xf32, #tpu.memory_space<vmem>> -> memref<128xf32, #tpu.memory_space<vmem>>
          %dma_start3A_109 = arith.constant 0 : i32
          %dma_start3A_110 = tpu.memref_slice %arg3[%squeeze3A_105, %dma_start3A_109] : memref<1000x128xf32, #tpu.memory_space<hbm>> -> memref<1x128xf32, #tpu.memory_space<hbm>>
          %dma_start3A_111 = tpu.memref_squeeze %dma_start3A_110 : memref<1x128xf32, #tpu.memory_space<hbm>> -> memref<128xf32, #tpu.memory_space<hbm>>
          %dma_start3A_112 = arith.constant 0 : i32
          %dma_start3A_113 = tpu.memref_slice %arg16[%squeeze3A, %dma_start3A_112] : memref<256x128xf32, #tpu.memory_space<vmem>> -> memref<1x128xf32, #tpu.memory_space<vmem>>
          %dma_start3A_114 = tpu.memref_squeeze %dma_start3A_113 : memref<1x128xf32, #tpu.memory_space<vmem>> -> memref<128xf32, #tpu.memory_space<vmem>>
          %dma_start3A_115 = arith.constant 0 : i32
          %dma_start3A_116 = tpu.memref_slice %arg3[%squeeze3A_105, %dma_start3A_115] : memref<1000x128xf32, #tpu.memory_space<hbm>> -> memref<1x128xf32, #tpu.memory_space<hbm>>
          %dma_start3A_117 = tpu.memref_squeeze %dma_start3A_116 : memref<1x128xf32, #tpu.memory_space<hbm>> -> memref<128xf32, #tpu.memory_space<hbm>>
          tpu.enqueue_dma source(%dma_start3A_117 : memref<128xf32, #tpu.memory_space<hbm>>) target(%dma_start3A_114 : memref<128xf32, #tpu.memory_space<vmem>>) target_semaphore(%arg21 : memref<!tpu.dma_semaphore, #tpu.memory_space<semaphore_mem>>)
          %while3A_118 = arith.constant 0 : i32
          scf.yield %while3A_118 : i32
        }
        %while3A_84 = arith.constant 0 : i32
        %while3A_85 = arith.constant 0 : i32
        %while3A_86 = arith.subi %scan3A_14, %while3A_84 : i32
        %while3A_87 = arith.addi %while3A_84, %while3A_86 : i32
        %while3A_88 = arith.constant 1 : i32
        %while3A_89 = arith.divsi %while3A_86, %while3A_88 : i32
        %while3A_90 = arith.muli %while3A_89, %while3A_88 : i32
        %while3A_91 = arith.addi %while3A_84, %while3A_90 : i32
        %while3A_92 = arith.constant 1 : i32
        %while3A_93 = scf.for %while3A_99 = %while3A_84 to %while3A_91 step %while3A_92 iter_args(%while3A_100 = %while3A_85) -> (i32)  : i32 {
          %dma_wait3A_101 = arith.constant 0 : i32
          %dma_wait3A_102 = arith.constant 0 : i32
          %dma_wait3A_103 = arith.constant 0 : i32
          %dma_wait3A_104 = tpu.memref_slice %arg16[%dma_wait3A_102, %dma_wait3A_103] : memref<256x128xf32, #tpu.memory_space<vmem>> -> memref<1x128xf32, #tpu.memory_space<vmem>>
          %dma_wait3A_105 = tpu.memref_squeeze %dma_wait3A_104 : memref<1x128xf32, #tpu.memory_space<vmem>> -> memref<128xf32, #tpu.memory_space<vmem>>
          %dma_wait3A_106 = arith.constant 0 : i32
          %dma_wait3A_107 = tpu.memref_slice %arg3[%dma_wait3A_101, %dma_wait3A_106] : memref<1000x128xf32, #tpu.memory_space<hbm>> -> memref<1x128xf32, #tpu.memory_space<hbm>>
          %dma_wait3A_108 = tpu.memref_squeeze %dma_wait3A_107 : memref<1x128xf32, #tpu.memory_space<hbm>> -> memref<128xf32, #tpu.memory_space<hbm>>
          %dma_wait3A_109 = arith.constant 0 : i32
          %dma_wait3A_110 = tpu.memref_slice %arg16[%dma_wait3A_102, %dma_wait3A_109] : memref<256x128xf32, #tpu.memory_space<vmem>> -> memref<1x128xf32, #tpu.memory_space<vmem>>
          %dma_wait3A_111 = tpu.memref_squeeze %dma_wait3A_110 : memref<1x128xf32, #tpu.memory_space<vmem>> -> memref<128xf32, #tpu.memory_space<vmem>>
          %dma_wait3A_112 = arith.constant 0 : i32
          %dma_wait3A_113 = tpu.memref_slice %arg3[%dma_wait3A_101, %dma_wait3A_112] : memref<1000x128xf32, #tpu.memory_space<hbm>> -> memref<1x128xf32, #tpu.memory_space<hbm>>
          %dma_wait3A_114 = tpu.memref_squeeze %dma_wait3A_113 : memref<1x128xf32, #tpu.memory_space<hbm>> -> memref<128xf32, #tpu.memory_space<hbm>>
          tpu.wait_dma2 semaphore(%arg21 : memref<!tpu.dma_semaphore, #tpu.memory_space<semaphore_mem>>) src(%dma_wait3A_114 : memref<128xf32, #tpu.memory_space<hbm>>) dst(%dma_wait3A_111 : memref<128xf32, #tpu.memory_space<vmem>>)
          %while3A_115 = arith.constant 0 : i32
          scf.yield %while3A_115 : i32
        }
        %while3A_94 = arith.constant 1 : i32
        %while3A_95 = scf.for %while3A_99 = %while3A_91 to %while3A_87 step %while3A_94 iter_args(%while3A_100 = %while3A_93) -> (i32)  : i32 {
          %dma_wait3A_101 = arith.constant 0 : i32
          %dma_wait3A_102 = arith.constant 0 : i32
          %dma_wait3A_103 = arith.constant 0 : i32
          %dma_wait3A_104 = tpu.memref_slice %arg16[%dma_wait3A_102, %dma_wait3A_103] : memref<256x128xf32, #tpu.memory_space<vmem>> -> memref<1x128xf32, #tpu.memory_space<vmem>>
          %dma_wait3A_105 = tpu.memref_squeeze %dma_wait3A_104 : memref<1x128xf32, #tpu.memory_space<vmem>> -> memref<128xf32, #tpu.memory_space<vmem>>
          %dma_wait3A_106 = arith.constant 0 : i32
          %dma_wait3A_107 = tpu.memref_slice %arg3[%dma_wait3A_101, %dma_wait3A_106] : memref<1000x128xf32, #tpu.memory_space<hbm>> -> memref<1x128xf32, #tpu.memory_space<hbm>>
          %dma_wait3A_108 = tpu.memref_squeeze %dma_wait3A_107 : memref<1x128xf32, #tpu.memory_space<hbm>> -> memref<128xf32, #tpu.memory_space<hbm>>
          %dma_wait3A_109 = arith.constant 0 : i32
          %dma_wait3A_110 = tpu.memref_slice %arg16[%dma_wait3A_102, %dma_wait3A_109] : memref<256x128xf32, #tpu.memory_space<vmem>> -> memref<1x128xf32, #tpu.memory_space<vmem>>
          %dma_wait3A_111 = tpu.memref_squeeze %dma_wait3A_110 : memref<1x128xf32, #tpu.memory_space<vmem>> -> memref<128xf32, #tpu.memory_space<vmem>>
          %dma_wait3A_112 = arith.constant 0 : i32
          %dma_wait3A_113 = tpu.memref_slice %arg3[%dma_wait3A_101, %dma_wait3A_112] : memref<1000x128xf32, #tpu.memory_space<hbm>> -> memref<1x128xf32, #tpu.memory_space<hbm>>
          %dma_wait3A_114 = tpu.memref_squeeze %dma_wait3A_113 : memref<1x128xf32, #tpu.memory_space<hbm>> -> memref<128xf32, #tpu.memory_space<hbm>>
          tpu.wait_dma2 semaphore(%arg21 : memref<!tpu.dma_semaphore, #tpu.memory_space<semaphore_mem>>) src(%dma_wait3A_114 : memref<128xf32, #tpu.memory_space<hbm>>) dst(%dma_wait3A_111 : memref<128xf32, #tpu.memory_space<vmem>>)
          %while3A_115 = arith.constant 0 : i32
          scf.yield %while3A_115 : i32
        }
        %dma_start3A = arith.constant 0 : i32
        %dma_start3A_96 = tpu.memref_slice %arg5[%add3A_61, %dma_start3A] : memref<819200x128xf32, #tpu.memory_space<hbm>> -> memref<256x128xf32, #tpu.memory_space<hbm>>
        %dma_start3A_97 = arith.constant 0 : i32
        %dma_start3A_98 = tpu.memref_slice %arg5[%add3A_61, %dma_start3A_97] : memref<819200x128xf32, #tpu.memory_space<hbm>> -> memref<256x128xf32, #tpu.memory_space<hbm>>
        tpu.enqueue_dma source(%arg16 : memref<256x128xf32, #tpu.memory_space<vmem>>) target(%dma_start3A_98 : memref<256x128xf32, #tpu.memory_space<hbm>>) target_semaphore(%arg20 : memref<!tpu.dma_semaphore, #tpu.memory_space<semaphore_mem>>)
      } else {
      }
      %mul3A_34 = arith.constant 2 : i32
      %mul3A_35 = arith.muli %scan3A_12, %mul3A_34 : i32
      %add3A_36 = arith.constant 1 : i32
      %add3A_37 = arith.addi %mul3A_35, %add3A_36 : i32
      %ge3A_38 = arith.constant 2 : i32
      %ge3A_39 = arith.cmpi sge, %add3A_37, %ge3A_38 : i32
      %convert_element_type3A_40 = arith.extui %ge3A_39 : i1 to i32
      %cond3A_41 = arith.constant 0 : i32
      %cond3A_42 = arith.cmpi ne, %convert_element_type3A_40, %cond3A_41 : i32
      scf.if %cond3A_42 {
        %dma_wait3A = arith.constant 0 : i32
        %dma_wait3A_59 = tpu.memref_slice %arg5[%mul3A_2, %dma_wait3A] : memref<819200x128xf32, #tpu.memory_space<hbm>> -> memref<256x128xf32, #tpu.memory_space<hbm>>
        %dma_wait3A_60 = arith.constant 0 : i32
        %dma_wait3A_61 = tpu.memref_slice %arg5[%mul3A_2, %dma_wait3A_60] : memref<819200x128xf32, #tpu.memory_space<hbm>> -> memref<256x128xf32, #tpu.memory_space<hbm>>
        tpu.wait_dma2 semaphore(%arg20 : memref<!tpu.dma_semaphore, #tpu.memory_space<semaphore_mem>>) src(%arg16 : memref<256x128xf32, #tpu.memory_space<vmem>>) dst(%dma_wait3A_61 : memref<256x128xf32, #tpu.memory_space<hbm>>)
      } else {
      }
      %lt3A_43 = arith.constant 100 : i32
      %lt3A_44 = arith.cmpi slt, %add3A_37, %lt3A_43 : i32
      %convert_element_type3A_45 = arith.extui %lt3A_44 : i1 to i32
      %cond3A_46 = arith.constant 0 : i32
      %cond3A_47 = arith.cmpi ne, %convert_element_type3A_45, %cond3A_46 : i32
      %cond3A_48 = scf.if %cond3A_47 -> (i32) {
        %scan3A_59 = arith.constant 0 : i32
        %scan3A_60 = arith.constant 0 : i32
        %scan3A_61 = arith.constant 8 : i32
        %scan3A_62 = arith.addi %scan3A_60, %scan3A_61 : i32
        %scan3A_63 = arith.constant 1 : i32
        %scan3A_64 = scf.for %scan3A_83 = %scan3A_60 to %scan3A_62 step %scan3A_63 iter_args(%scan3A_84 = %scan3A_59) -> (i32)  : i32 {
          %mul3A_85 = arith.constant 2 : i32
          %mul3A_86 = arith.muli %mul3A_85, %add3A_37 : i32
          %add3A_87 = arith.constant 0 : i32
          %add3A_88 = arith.addi %mul3A_86, %add3A_87 : i32
          %sub3A_89 = arith.constant 0 : i32
          %sub3A_90 = arith.subi %scan3A_83, %sub3A_89 : i32
          %mul3A_91 = arith.constant 16 : i32
          %mul3A_92 = arith.muli %sub3A_90, %mul3A_91 : i32
          %get3A = arith.index_cast %add3A_88 : i32 to index
          %get3A_93 = arith.index_cast %mul3A_92 : i32 to index
          %get3A_94 = tpu.vector_load %arg6[%get3A, %get3A_93] {strides = array<i32>} : memref<200x128xi32, #tpu.memory_space<vmem>>, vector<16xi32>,
          %lt3A_95 = arith.constant 1000 : i32
          %lt3A_96 = vector.broadcast %lt3A_95 : i32 to vector<16xi32>
          %lt3A_97 = arith.cmpi slt, %get3A_94, %lt3A_96 : vector<16xi32>
          %iota3A = tpu.iota {dimensions = array<i32: 0>} : vector<16xi32>
          %mul3A_98 = arith.constant 16 : i32
          %mul3A_99 = arith.muli %scan3A_83, %mul3A_98 : i32
          %add3A_100 = vector.broadcast %mul3A_99 : i32 to vector<16xi32>
          %add3A_101 = arith.addi %iota3A, %add3A_100 : vector<16xi32>
          %mul3A_102 = arith.constant 256 : i32
          %mul3A_103 = arith.muli %add3A_37, %mul3A_102 : i32
          %add3A_104 = arith.addi %mul3A_2, %mul3A_103 : i32
          %add3A_105 = vector.broadcast %add3A_104 : i32 to vector<16xi32>
          %add3A_106 = arith.addi %add3A_105, %add3A_101 : vector<16xi32>
          %and3A_107 = arith.constant 65535 : i32
          %and3A_108 = vector.broadcast %and3A_107 : i32 to vector<16xi32>
          %and3A_109 = arith.andi %add3A_106, %and3A_108 : vector<16xi32>
          %sub3A_110 = arith.constant 1000 : i32
          %sub3A_111 = vector.broadcast %sub3A_110 : i32 to vector<16xi32>
          %sub3A_112 = arith.subi %get3A_94, %sub3A_111 : vector<16xi32>
          %select_n3A = arith.select %lt3A_97, %and3A_109, %sub3A_112 : vector<16xi1>, vector<16xi32>
          %sub3A_113 = arith.constant 0 : i32
          %sub3A_114 = arith.subi %scan3A_83, %sub3A_113 : i32
          %mul3A_115 = arith.constant 16 : i32
          %mul3A_116 = arith.muli %sub3A_114, %mul3A_115 : i32
          %swap3A = arith.index_cast %mul3A_116 : i32 to index
          %swap3A_117 = tpu.vector_load %arg14[%swap3A] {strides = array<i32>} : memref<128xi32, #tpu.memory_space<vmem>>, vector<16xi32>,
          tpu.vector_store %arg14[%swap3A], %select_n3A {strides = array<i32>} : memref<128xi32, #tpu.memory_space<vmem>>, vector<16xi32>,
          %convert_element_type3A_118 = arith.extui %lt3A_97 : vector<16xi1> to vector<16xi32>
          %broadcast_in_dim3A = arith.constant true
          %broadcast_in_dim3A_119 = vector.broadcast %broadcast_in_dim3A : i1 to vector<16xi1>
          %masked_cumsum3A = tpu.scan <sum>, %convert_element_type3A_118 masked %broadcast_in_dim3A_119 : vector<16xi32>, vector<16xi1> -> vector<16xi32>
          %add3A_120 = vector.broadcast %scan3A_84 : i32 to vector<16xi32>
          %add3A_121 = arith.addi %add3A_120, %masked_cumsum3A : vector<16xi32>
          %sub3A_122 = arith.constant 1 : i32
          %sub3A_123 = vector.broadcast %sub3A_122 : i32 to vector<16xi32>
          %sub3A_124 = arith.subi %add3A_121, %sub3A_123 : vector<16xi32>
          tpu.vector_store_idx %arg17[%sub3A_124], %add3A_101 masked %lt3A_97 : memref<272xi32, #tpu.memory_space<vmem>>[vector<16xi32>], vector<16xi32>, vector<16xi1>
          tpu.vector_store_idx %arg18[%sub3A_124], %get3A_94 masked %lt3A_97 : memref<272xi32, #tpu.memory_space<vmem>>[vector<16xi32>], vector<16xi32>, vector<16xi1>
          %slice3A = vector.extract_strided_slice %masked_cumsum3A {offsets = [15], sizes = [1], strides = [1]} : vector<16xi32> to vector<1xi32>
          %squeeze3A = vector.extract %slice3A[0] : i32 from vector<1xi32>
          %add3A_125 = arith.addi %scan3A_84, %squeeze3A : i32
          scf.yield %add3A_125 : i32
        }
        %scan3A_65 = arith.constant 8 : i32
        %scan3A_66 = arith.constant 8 : i32
        %scan3A_67 = arith.constant 8 : i32
        %scan3A_68 = arith.addi %scan3A_66, %scan3A_67 : i32
        %scan3A_69 = arith.constant 1 : i32
        %scan3A_70 = scf.for %scan3A_83 = %scan3A_66 to %scan3A_68 step %scan3A_69 iter_args(%scan3A_84 = %scan3A_64) -> (i32)  : i32 {
          %mul3A_85 = arith.constant 2 : i32
          %mul3A_86 = arith.muli %mul3A_85, %add3A_37 : i32
          %add3A_87 = arith.constant 1 : i32
          %add3A_88 = arith.addi %mul3A_86, %add3A_87 : i32
          %sub3A_89 = arith.constant 8 : i32
          %sub3A_90 = arith.subi %scan3A_83, %sub3A_89 : i32
          %mul3A_91 = arith.constant 16 : i32
          %mul3A_92 = arith.muli %sub3A_90, %mul3A_91 : i32
          %get3A = arith.index_cast %add3A_88 : i32 to index
          %get3A_93 = arith.index_cast %mul3A_92 : i32 to index
          %get3A_94 = tpu.vector_load %arg6[%get3A, %get3A_93] {strides = array<i32>} : memref<200x128xi32, #tpu.memory_space<vmem>>, vector<16xi32>,
          %lt3A_95 = arith.constant 1000 : i32
          %lt3A_96 = vector.broadcast %lt3A_95 : i32 to vector<16xi32>
          %lt3A_97 = arith.cmpi slt, %get3A_94, %lt3A_96 : vector<16xi32>
          %iota3A = tpu.iota {dimensions = array<i32: 0>} : vector<16xi32>
          %mul3A_98 = arith.constant 16 : i32
          %mul3A_99 = arith.muli %scan3A_83, %mul3A_98 : i32
          %add3A_100 = vector.broadcast %mul3A_99 : i32 to vector<16xi32>
          %add3A_101 = arith.addi %iota3A, %add3A_100 : vector<16xi32>
          %mul3A_102 = arith.constant 256 : i32
          %mul3A_103 = arith.muli %add3A_37, %mul3A_102 : i32
          %add3A_104 = arith.addi %mul3A_2, %mul3A_103 : i32
          %add3A_105 = vector.broadcast %add3A_104 : i32 to vector<16xi32>
          %add3A_106 = arith.addi %add3A_105, %add3A_101 : vector<16xi32>
          %and3A_107 = arith.constant 65535 : i32
          %and3A_108 = vector.broadcast %and3A_107 : i32 to vector<16xi32>
          %and3A_109 = arith.andi %add3A_106, %and3A_108 : vector<16xi32>
          %sub3A_110 = arith.constant 1000 : i32
          %sub3A_111 = vector.broadcast %sub3A_110 : i32 to vector<16xi32>
          %sub3A_112 = arith.subi %get3A_94, %sub3A_111 : vector<16xi32>
          %select_n3A = arith.select %lt3A_97, %and3A_109, %sub3A_112 : vector<16xi1>, vector<16xi32>
          %sub3A_113 = arith.constant 8 : i32
          %sub3A_114 = arith.subi %scan3A_83, %sub3A_113 : i32
          %mul3A_115 = arith.constant 16 : i32
          %mul3A_116 = arith.muli %sub3A_114, %mul3A_115 : i32
          %swap3A = arith.index_cast %mul3A_116 : i32 to index
          %swap3A_117 = tpu.vector_load %arg15[%swap3A] {strides = array<i32>} : memref<128xi32, #tpu.memory_space<vmem>>, vector<16xi32>,
          tpu.vector_store %arg15[%swap3A], %select_n3A {strides = array<i32>} : memref<128xi32, #tpu.memory_space<vmem>>, vector<16xi32>,
          %convert_element_type3A_118 = arith.extui %lt3A_97 : vector<16xi1> to vector<16xi32>
          %broadcast_in_dim3A = arith.constant true
          %broadcast_in_dim3A_119 = vector.broadcast %broadcast_in_dim3A : i1 to vector<16xi1>
          %masked_cumsum3A = tpu.scan <sum>, %convert_element_type3A_118 masked %broadcast_in_dim3A_119 : vector<16xi32>, vector<16xi1> -> vector<16xi32>
          %add3A_120 = vector.broadcast %scan3A_84 : i32 to vector<16xi32>
          %add3A_121 = arith.addi %add3A_120, %masked_cumsum3A : vector<16xi32>
          %sub3A_122 = arith.constant 1 : i32
          %sub3A_123 = vector.broadcast %sub3A_122 : i32 to vector<16xi32>
          %sub3A_124 = arith.subi %add3A_121, %sub3A_123 : vector<16xi32>
          tpu.vector_store_idx %arg17[%sub3A_124], %add3A_101 masked %lt3A_97 : memref<272xi32, #tpu.memory_space<vmem>>[vector<16xi32>], vector<16xi32>, vector<16xi1>
          tpu.vector_store_idx %arg18[%sub3A_124], %get3A_94 masked %lt3A_97 : memref<272xi32, #tpu.memory_space<vmem>>[vector<16xi32>], vector<16xi32>, vector<16xi1>
          %slice3A = vector.extract_strided_slice %masked_cumsum3A {offsets = [15], sizes = [1], strides = [1]} : vector<16xi32> to vector<1xi32>
          %squeeze3A = vector.extract %slice3A[0] : i32 from vector<1xi32>
          %add3A_125 = arith.addi %scan3A_84, %squeeze3A : i32
          scf.yield %add3A_125 : i32
        }
        %scan3A_71 = arith.constant 8 : i32
        %dma_start3A = arith.constant 0 : i32
        %dma_start3A_72 = arith.constant 0 : i32
        %dma_start3A_73 = tpu.memref_slice %arg16[%dma_start3A, %dma_start3A_72] : memref<256x128xf32, #tpu.memory_space<vmem>> -> memref<128x128xf32, #tpu.memory_space<vmem>>
        %dma_start3A_74 = arith.constant 0 : i32
        %dma_start3A_75 = arith.constant 0 : i32
        %dma_start3A_76 = tpu.memref_slice %arg4[%dma_start3A_74, %dma_start3A_75] : memref<99000x128xf32, #tpu.memory_space<hbm>> -> memref<99000x128xf32, #tpu.memory_space<hbm>>
        tpu.enqueue_indirect_dma source(%dma_start3A_76 : memref<99000x128xf32, #tpu.memory_space<hbm>>) target(%dma_start3A_73 : memref<128x128xf32, #tpu.memory_space<vmem>>) offsets(%arg14 : memref<128xi32, #tpu.memory_space<vmem>>) semaphore(%arg19 : memref<!tpu.dma_semaphore, #tpu.memory_space<semaphore_mem>>)
        %dma_start3A_77 = arith.constant 128 : i32
        %dma_start3A_78 = arith.constant 0 : i32
        %dma_start3A_79 = tpu.memref_slice %arg16[%dma_start3A_77, %dma_start3A_78] : memref<256x128xf32, #tpu.memory_space<vmem>> -> memref<128x128xf32, #tpu.memory_space<vmem>>
        %dma_start3A_80 = arith.constant 0 : i32
        %dma_start3A_81 = arith.constant 0 : i32
        %dma_start3A_82 = tpu.memref_slice %arg4[%dma_start3A_80, %dma_start3A_81] : memref<99000x128xf32, #tpu.memory_space<hbm>> -> memref<99000x128xf32, #tpu.memory_space<hbm>>
        tpu.enqueue_indirect_dma source(%dma_start3A_82 : memref<99000x128xf32, #tpu.memory_space<hbm>>) target(%dma_start3A_79 : memref<128x128xf32, #tpu.memory_space<vmem>>) offsets(%arg15 : memref<128xi32, #tpu.memory_space<vmem>>) semaphore(%arg19 : memref<!tpu.dma_semaphore, #tpu.memory_space<semaphore_mem>>)
        scf.yield %scan3A_70 : i32
      } else {
        %cond3A_59 = arith.constant 0 : i32
        scf.yield %cond3A_59 : i32
      }
      %sub3A_49 = arith.constant 1 : i32
      %sub3A_50 = arith.subi %add3A_37, %sub3A_49 : i32
      %ge3A_51 = arith.constant 0 : i32
      %ge3A_52 = arith.cmpi sge, %sub3A_50, %ge3A_51 : i32
      %lt3A_53 = arith.constant 100 : i32
      %lt3A_54 = arith.cmpi slt, %sub3A_50, %lt3A_53 : i32
      %and3A_55 = arith.andi %ge3A_52, %lt3A_54 : i1
      %convert_element_type3A_56 = arith.extui %and3A_55 : i1 to i32
      %cond3A_57 = arith.constant 0 : i32
      %cond3A_58 = arith.cmpi ne, %convert_element_type3A_56, %cond3A_57 : i32
      scf.if %cond3A_58 {
        %mul3A_59 = arith.constant 256 : i32
        %mul3A_60 = arith.muli %sub3A_50, %mul3A_59 : i32
        %add3A_61 = arith.addi %mul3A_2, %mul3A_60 : i32
        %dma_wait3A = arith.constant 0 : i32
        %dma_wait3A_62 = arith.constant 0 : i32
        %dma_wait3A_63 = tpu.memref_slice %arg9[%dma_wait3A, %dma_wait3A_62] : memref<256x128xf32, #tpu.memory_space<vmem>> -> memref<128x128xf32, #tpu.memory_space<vmem>>
        %dma_wait3A_64 = arith.constant 0 : i32
        %dma_wait3A_65 = arith.constant 0 : i32
        %dma_wait3A_66 = tpu.memref_slice %arg4[%dma_wait3A_64, %dma_wait3A_65] : memref<99000x128xf32, #tpu.memory_space<hbm>> -> memref<99000x128xf32, #tpu.memory_space<hbm>>
        tpu.wait_indirect_dma semaphore(%arg12 : memref<!tpu.dma_semaphore, #tpu.memory_space<semaphore_mem>>) src(%dma_wait3A_66 : memref<99000x128xf32, #tpu.memory_space<hbm>>) dst(%dma_wait3A_63 : memref<128x128xf32, #tpu.memory_space<vmem>>)
        %dma_wait3A_67 = arith.constant 128 : i32
        %dma_wait3A_68 = arith.constant 0 : i32
        %dma_wait3A_69 = tpu.memref_slice %arg9[%dma_wait3A_67, %dma_wait3A_68] : memref<256x128xf32, #tpu.memory_space<vmem>> -> memref<128x128xf32, #tpu.memory_space<vmem>>
        %dma_wait3A_70 = arith.constant 0 : i32
        %dma_wait3A_71 = arith.constant 0 : i32
        %dma_wait3A_72 = tpu.memref_slice %arg4[%dma_wait3A_70, %dma_wait3A_71] : memref<99000x128xf32, #tpu.memory_space<hbm>> -> memref<99000x128xf32, #tpu.memory_space<hbm>>
        tpu.wait_indirect_dma semaphore(%arg12 : memref<!tpu.dma_semaphore, #tpu.memory_space<semaphore_mem>>) src(%dma_wait3A_72 : memref<99000x128xf32, #tpu.memory_space<hbm>>) dst(%dma_wait3A_69 : memref<128x128xf32, #tpu.memory_space<vmem>>)
        %while3A = arith.constant 0 : i32
        %while3A_73 = arith.constant 0 : i32
        %while3A_74 = arith.subi %cond3A_25, %while3A : i32
        %while3A_75 = arith.addi %while3A, %while3A_74 : i32
        %while3A_76 = arith.constant 1 : i32
        %while3A_77 = arith.divsi %while3A_74, %while3A_76 : i32
        %while3A_78 = arith.muli %while3A_77, %while3A_76 : i32
        %while3A_79 = arith.addi %while3A, %while3A_78 : i32
        %while3A_80 = arith.constant 1 : i32
        %while3A_81 = scf.for %while3A_99 = %while3A to %while3A_79 step %while3A_80 iter_args(%while3A_100 = %while3A_73) -> (i32)  : i32 {
          %get3A = arith.index_cast %while3A_99 : i32 to index
          %get3A_101 = tpu.vector_load %arg10[%get3A] {strides = array<i32>} : memref<272xi32, #tpu.memory_space<vmem>>, vector<16xi32>,
          %slice3A = vector.extract_strided_slice %get3A_101 {offsets = [0], sizes = [1], strides = [1]} : vector<16xi32> to vector<1xi32>
          %squeeze3A = vector.extract %slice3A[0] : i32 from vector<1xi32>
          %get3A_102 = arith.index_cast %while3A_99 : i32 to index
          %get3A_103 = tpu.vector_load %arg11[%get3A_102] {strides = array<i32>} : memref<272xi32, #tpu.memory_space<vmem>>, vector<16xi32>,
          %slice3A_104 = vector.extract_strided_slice %get3A_103 {offsets = [0], sizes = [1], strides = [1]} : vector<16xi32> to vector<1xi32>
          %squeeze3A_105 = vector.extract %slice3A_104[0] : i32 from vector<1xi32>
          %dma_start3A_106 = arith.constant 0 : i32
          %dma_start3A_107 = tpu.memref_slice %arg9[%squeeze3A, %dma_start3A_106] : memref<256x128xf32, #tpu.memory_space<vmem>> -> memref<1x128xf32, #tpu.memory_space<vmem>>
          %dma_start3A_108 = tpu.memref_squeeze %dma_start3A_107 : memref<1x128xf32, #tpu.memory_space<vmem>> -> memref<128xf32, #tpu.memory_space<vmem>>
          %dma_start3A_109 = arith.constant 0 : i32
          %dma_start3A_110 = tpu.memref_slice %arg3[%squeeze3A_105, %dma_start3A_109] : memref<1000x128xf32, #tpu.memory_space<hbm>> -> memref<1x128xf32, #tpu.memory_space<hbm>>
          %dma_start3A_111 = tpu.memref_squeeze %dma_start3A_110 : memref<1x128xf32, #tpu.memory_space<hbm>> -> memref<128xf32, #tpu.memory_space<hbm>>
          %dma_start3A_112 = arith.constant 0 : i32
          %dma_start3A_113 = tpu.memref_slice %arg9[%squeeze3A, %dma_start3A_112] : memref<256x128xf32, #tpu.memory_space<vmem>> -> memref<1x128xf32, #tpu.memory_space<vmem>>
          %dma_start3A_114 = tpu.memref_squeeze %dma_start3A_113 : memref<1x128xf32, #tpu.memory_space<vmem>> -> memref<128xf32, #tpu.memory_space<vmem>>
          %dma_start3A_115 = arith.constant 0 : i32
          %dma_start3A_116 = tpu.memref_slice %arg3[%squeeze3A_105, %dma_start3A_115] : memref<1000x128xf32, #tpu.memory_space<hbm>> -> memref<1x128xf32, #tpu.memory_space<hbm>>
          %dma_start3A_117 = tpu.memref_squeeze %dma_start3A_116 : memref<1x128xf32, #tpu.memory_space<hbm>> -> memref<128xf32, #tpu.memory_space<hbm>>
          tpu.enqueue_dma source(%dma_start3A_117 : memref<128xf32, #tpu.memory_space<hbm>>) target(%dma_start3A_114 : memref<128xf32, #tpu.memory_space<vmem>>) target_semaphore(%arg21 : memref<!tpu.dma_semaphore, #tpu.memory_space<semaphore_mem>>)
          %while3A_118 = arith.constant 0 : i32
          scf.yield %while3A_118 : i32
        }
        %while3A_82 = arith.constant 1 : i32
        %while3A_83 = scf.for %while3A_99 = %while3A_79 to %while3A_75 step %while3A_82 iter_args(%while3A_100 = %while3A_81) -> (i32)  : i32 {
          %get3A = arith.index_cast %while3A_99 : i32 to index
          %get3A_101 = tpu.vector_load %arg10[%get3A] {strides = array<i32>} : memref<272xi32, #tpu.memory_space<vmem>>, vector<16xi32>,
          %slice3A = vector.extract_strided_slice %get3A_101 {offsets = [0], sizes = [1], strides = [1]} : vector<16xi32> to vector<1xi32>
          %squeeze3A = vector.extract %slice3A[0] : i32 from vector<1xi32>
          %get3A_102 = arith.index_cast %while3A_99 : i32 to index
          %get3A_103 = tpu.vector_load %arg11[%get3A_102] {strides = array<i32>} : memref<272xi32, #tpu.memory_space<vmem>>, vector<16xi32>,
          %slice3A_104 = vector.extract_strided_slice %get3A_103 {offsets = [0], sizes = [1], strides = [1]} : vector<16xi32> to vector<1xi32>
          %squeeze3A_105 = vector.extract %slice3A_104[0] : i32 from vector<1xi32>
          %dma_start3A_106 = arith.constant 0 : i32
          %dma_start3A_107 = tpu.memref_slice %arg9[%squeeze3A, %dma_start3A_106] : memref<256x128xf32, #tpu.memory_space<vmem>> -> memref<1x128xf32, #tpu.memory_space<vmem>>
          %dma_start3A_108 = tpu.memref_squeeze %dma_start3A_107 : memref<1x128xf32, #tpu.memory_space<vmem>> -> memref<128xf32, #tpu.memory_space<vmem>>
          %dma_start3A_109 = arith.constant 0 : i32
          %dma_start3A_110 = tpu.memref_slice %arg3[%squeeze3A_105, %dma_start3A_109] : memref<1000x128xf32, #tpu.memory_space<hbm>> -> memref<1x128xf32, #tpu.memory_space<hbm>>
          %dma_start3A_111 = tpu.memref_squeeze %dma_start3A_110 : memref<1x128xf32, #tpu.memory_space<hbm>> -> memref<128xf32, #tpu.memory_space<hbm>>
          %dma_start3A_112 = arith.constant 0 : i32
          %dma_start3A_113 = tpu.memref_slice %arg9[%squeeze3A, %dma_start3A_112] : memref<256x128xf32, #tpu.memory_space<vmem>> -> memref<1x128xf32, #tpu.memory_space<vmem>>
          %dma_start3A_114 = tpu.memref_squeeze %dma_start3A_113 : memref<1x128xf32, #tpu.memory_space<vmem>> -> memref<128xf32, #tpu.memory_space<vmem>>
          %dma_start3A_115 = arith.constant 0 : i32
          %dma_start3A_116 = tpu.memref_slice %arg3[%squeeze3A_105, %dma_start3A_115] : memref<1000x128xf32, #tpu.memory_space<hbm>> -> memref<1x128xf32, #tpu.memory_space<hbm>>
          %dma_start3A_117 = tpu.memref_squeeze %dma_start3A_116 : memref<1x128xf32, #tpu.memory_space<hbm>> -> memref<128xf32, #tpu.memory_space<hbm>>
          tpu.enqueue_dma source(%dma_start3A_117 : memref<128xf32, #tpu.memory_space<hbm>>) target(%dma_start3A_114 : memref<128xf32, #tpu.memory_space<vmem>>) target_semaphore(%arg21 : memref<!tpu.dma_semaphore, #tpu.memory_space<semaphore_mem>>)
          %while3A_118 = arith.constant 0 : i32
          scf.yield %while3A_118 : i32
        }
        %while3A_84 = arith.constant 0 : i32
        %while3A_85 = arith.constant 0 : i32
        %while3A_86 = arith.subi %cond3A_25, %while3A_84 : i32
        %while3A_87 = arith.addi %while3A_84, %while3A_86 : i32
        %while3A_88 = arith.constant 1 : i32
        %while3A_89 = arith.divsi %while3A_86, %while3A_88 : i32
        %while3A_90 = arith.muli %while3A_89, %while3A_88 : i32
        %while3A_91 = arith.addi %while3A_84, %while3A_90 : i32
        %while3A_92 = arith.constant 1 : i32
        %while3A_93 = scf.for %while3A_99 = %while3A_84 to %while3A_91 step %while3A_92 iter_args(%while3A_100 = %while3A_85) -> (i32)  : i32 {
          %dma_wait3A_101 = arith.constant 0 : i32
          %dma_wait3A_102 = arith.constant 0 : i32
          %dma_wait3A_103 = arith.constant 0 : i32
          %dma_wait3A_104 = tpu.memref_slice %arg9[%dma_wait3A_102, %dma_wait3A_103] : memref<256x128xf32, #tpu.memory_space<vmem>> -> memref<1x128xf32, #tpu.memory_space<vmem>>
          %dma_wait3A_105 = tpu.memref_squeeze %dma_wait3A_104 : memref<1x128xf32, #tpu.memory_space<vmem>> -> memref<128xf32, #tpu.memory_space<vmem>>
          %dma_wait3A_106 = arith.constant 0 : i32
          %dma_wait3A_107 = tpu.memref_slice %arg3[%dma_wait3A_101, %dma_wait3A_106] : memref<1000x128xf32, #tpu.memory_space<hbm>> -> memref<1x128xf32, #tpu.memory_space<hbm>>
          %dma_wait3A_108 = tpu.memref_squeeze %dma_wait3A_107 : memref<1x128xf32, #tpu.memory_space<hbm>> -> memref<128xf32, #tpu.memory_space<hbm>>
          %dma_wait3A_109 = arith.constant 0 : i32
          %dma_wait3A_110 = tpu.memref_slice %arg9[%dma_wait3A_102, %dma_wait3A_109] : memref<256x128xf32, #tpu.memory_space<vmem>> -> memref<1x128xf32, #tpu.memory_space<vmem>>
          %dma_wait3A_111 = tpu.memref_squeeze %dma_wait3A_110 : memref<1x128xf32, #tpu.memory_space<vmem>> -> memref<128xf32, #tpu.memory_space<vmem>>
          %dma_wait3A_112 = arith.constant 0 : i32
          %dma_wait3A_113 = tpu.memref_slice %arg3[%dma_wait3A_101, %dma_wait3A_112] : memref<1000x128xf32, #tpu.memory_space<hbm>> -> memref<1x128xf32, #tpu.memory_space<hbm>>
          %dma_wait3A_114 = tpu.memref_squeeze %dma_wait3A_113 : memref<1x128xf32, #tpu.memory_space<hbm>> -> memref<128xf32, #tpu.memory_space<hbm>>
          tpu.wait_dma2 semaphore(%arg21 : memref<!tpu.dma_semaphore, #tpu.memory_space<semaphore_mem>>) src(%dma_wait3A_114 : memref<128xf32, #tpu.memory_space<hbm>>) dst(%dma_wait3A_111 : memref<128xf32, #tpu.memory_space<vmem>>)
          %while3A_115 = arith.constant 0 : i32
          scf.yield %while3A_115 : i32
        }
        %while3A_94 = arith.constant 1 : i32
        %while3A_95 = scf.for %while3A_99 = %while3A_91 to %while3A_87 step %while3A_94 iter_args(%while3A_100 = %while3A_93) -> (i32)  : i32 {
          %dma_wait3A_101 = arith.constant 0 : i32
          %dma_wait3A_102 = arith.constant 0 : i32
          %dma_wait3A_103 = arith.constant 0 : i32
          %dma_wait3A_104 = tpu.memref_slice %arg9[%dma_wait3A_102, %dma_wait3A_103] : memref<256x128xf32, #tpu.memory_space<vmem>> -> memref<1x128xf32, #tpu.memory_space<vmem>>
          %dma_wait3A_105 = tpu.memref_squeeze %dma_wait3A_104 : memref<1x128xf32, #tpu.memory_space<vmem>> -> memref<128xf32, #tpu.memory_space<vmem>>
          %dma_wait3A_106 = arith.constant 0 : i32
          %dma_wait3A_107 = tpu.memref_slice %arg3[%dma_wait3A_101, %dma_wait3A_106] : memref<1000x128xf32, #tpu.memory_space<hbm>> -> memref<1x128xf32, #tpu.memory_space<hbm>>
          %dma_wait3A_108 = tpu.memref_squeeze %dma_wait3A_107 : memref<1x128xf32, #tpu.memory_space<hbm>> -> memref<128xf32, #tpu.memory_space<hbm>>
          %dma_wait3A_109 = arith.constant 0 : i32
          %dma_wait3A_110 = tpu.memref_slice %arg9[%dma_wait3A_102, %dma_wait3A_109] : memref<256x128xf32, #tpu.memory_space<vmem>> -> memref<1x128xf32, #tpu.memory_space<vmem>>
          %dma_wait3A_111 = tpu.memref_squeeze %dma_wait3A_110 : memref<1x128xf32, #tpu.memory_space<vmem>> -> memref<128xf32, #tpu.memory_space<vmem>>
          %dma_wait3A_112 = arith.constant 0 : i32
          %dma_wait3A_113 = tpu.memref_slice %arg3[%dma_wait3A_101, %dma_wait3A_112] : memref<1000x128xf32, #tpu.memory_space<hbm>> -> memref<1x128xf32, #tpu.memory_space<hbm>>
          %dma_wait3A_114 = tpu.memref_squeeze %dma_wait3A_113 : memref<1x128xf32, #tpu.memory_space<hbm>> -> memref<128xf32, #tpu.memory_space<hbm>>
          tpu.wait_dma2 semaphore(%arg21 : memref<!tpu.dma_semaphore, #tpu.memory_space<semaphore_mem>>) src(%dma_wait3A_114 : memref<128xf32, #tpu.memory_space<hbm>>) dst(%dma_wait3A_111 : memref<128xf32, #tpu.memory_space<vmem>>)
          %while3A_115 = arith.constant 0 : i32
          scf.yield %while3A_115 : i32
        }
        %dma_start3A = arith.constant 0 : i32
        %dma_start3A_96 = tpu.memref_slice %arg5[%add3A_61, %dma_start3A] : memref<819200x128xf32, #tpu.memory_space<hbm>> -> memref<256x128xf32, #tpu.memory_space<hbm>>
        %dma_start3A_97 = arith.constant 0 : i32
        %dma_start3A_98 = tpu.memref_slice %arg5[%add3A_61, %dma_start3A_97] : memref<819200x128xf32, #tpu.memory_space<hbm>> -> memref<256x128xf32, #tpu.memory_space<hbm>>
        tpu.enqueue_dma source(%arg9 : memref<256x128xf32, #tpu.memory_space<vmem>>) target(%dma_start3A_98 : memref<256x128xf32, #tpu.memory_space<hbm>>) target_semaphore(%arg13 : memref<!tpu.dma_semaphore, #tpu.memory_space<semaphore_mem>>)
      } else {
      }
      scf.yield %cond3A_25, %cond3A_48 : i32, i32
    }
    %scan3A_11 = arith.constant 51 : i32
    return
  }
}

</mosaic_0001>

<sc_bundles>
// kernel: kernel.3.cloned.1.call-start
scs
__scs_entry_jumppad:
0x0: {  	(pc) =	sbr.rel $0x88, $3  }
0x1: {  	(tag) =	ssettag $0x0;
	lr =	simm.s32 $0x1  }
0x2: {  	[smem:$0x3F9E] =	sst lr;
	_ =	strace $0xD0000000  }
0x3: {  	_ = 	snop  }
0x4: {  	_ = 	snop  }
0x5: {  	_ = 	snop  }
0x6: {  	_ = 	snop  }
0x7: {  	_ = 	snop  }
__scs_overlays_trampoline_lowered:
0x8: {  	[smem:$0x3FAD] =	sst s0  }
0x9: {  	[smem:$0x3FAE] =	sst s1  }
0xa: {  	[smem:$0x3FAF] =	sst s2  }
0xb: {  	[smem:$0x3FB0] =	sst s3  }
0xc: {  	[smem:$0x3FB1] =	sst s4  }
0xd: {  	[smem:$0x3FB2] =	sst s5  }
0xe: {  	[smem:$0x3FB3] =	sst s6  }
0xf: {  	[smem:$0x3FB4] =	sst s7  }
0x10: {  	[smem:$0x3FB5] =	sst s8  }
0x11: {  	[smem:$0x3FB6] =	sst s9;
	s0 =	simm.s32 @!p0 $0x0  }
0x12: {  	s1 =	sld [smem:$0x3F9C];
	s0 =	simm.s32 @p0 $0x1  }
0x13: {  	[smem:$0x3FB7] =	sst s0;
	s0 =	simm.s32 @!p1 $0x0  }
0x14: {  	s2 =	sld [smem:$0x3F9B];
	s0 =	simm.s32 @p1 $0x1  }
0x15: {  	[smem:$0x3FB8] =	sst s0;
	s0 =	simm.s32 @!p2 $0x0  }
0x16: {  	s3 =	sld [smem:$0x3FDB];
	s0 =	simm.s32 @p2 $0x1  }
0x17: {  	s4 =	simm.s32 $0x1BF5;
	[smem:$0x3FBA] =	sst s0  }
0x18: {  	s0 =	sld [smem:$0x3F9D];
	_ =	swait.ge [sflag:s4], $0x0  }
0x19: {  	s7 =	sld [smem:$0x3F9E]  }
0x1a: {  	s8 =	sadd.s32 $0xFFFFE003, lr  }
0x1b: {  	s9 =	sadd.s32 $0xFFFFFEF7, lr;
	s5 =	simm.s32 $0xFFFFFFFF;
	p2 =	slt.u32 s8, $0xFFFFF086  }
0x1c: {  	p1 =	slt.u32 s9, $0xF7A;
	s5 =	simm.s32 @!p2 $0x0  }
0x1d: {  	s5 =	simm.s32 @p1 $0x1;
	p0 =	seq.s32 s7, s2  }
0x1e: {  	s7 =	smul.u32 @!p0 $0xF7A, s2;
	p2 =	seq.s32 @!p0 s5, $0x0  }
0x1f: {  	s9 =	smul.u32 $0xF7A, s1;
	s8 =	simm.s32 @!p0 $0x1BF5;
	p2 =	por !p2, p0  }
0x20: {  	[sflag:s8] =	ssyncset.s32 @!p0 $0xFFFFF086;
	s6 =	sadd.s32 @!p0 s3, s7;
	s7 =	simm.s32 @!p0 $0x108  }
0x21: {  	s3 =	sadd.s32 s3, s9;
	s6 =	sadd.s32 @!p0 $0x88, s6;
	s7 =	simm.s32 @p2 $0x1082  }
0x22: {  	[simem:s7], [sflag:s8] =	dma.local @!p0 [hbm:s6], $0xF7A  }
0x23: {  	s9 =	sor.u32 $0xD0000000, s2;
	s6 =	simm.s32 $0x108;
	_ =	swait.ge @!p0 [sflag:s8], $0x0  }
0x24: {  	s3 =	sadd.s32 $0x88, s3;
	s6 =	simm.s32 @!p1 $0x1082;
	[sflag:s4] =	ssyncset.s32 $0xFFFFF086  }
0x25: {  	[simem:s6], [sflag:s4] =	dma.local [hbm:s3], $0xF7A  }
0x26: {  	[smem:$0x3F9E] =	sst s1;
	(tag) =	ssettag s2;
	_ =	strace s9  }
0x27: {  	s1 =	sld [smem:$0x3FAE]  }
0x28: {  	s2 =	sld [smem:$0x3FAF]  }
0x29: {  	s4 =	sld [smem:$0x3FB1]  }
0x2a: {  	p0 =	seq.s32 s5, $0x0;
	s5 =	sld [smem:$0x3FB2]  }
0x2b: {  	s6 =	sld [smem:$0x3FB3]  }
0x2c: {  	s7 =	sld [smem:$0x3FB4]  }
0x2d: {  	s3 =	simm.s32 $0x108;
	s8 =	sld [smem:$0x3FB5]  }
0x2e: {  	s3 =	simm.s32 @!p0 $0x1082;
	s9 =	sld [smem:$0x3FB6]  }
0x2f: {  	lr =	sadd.s32 s0, s3;
	s0 =	sld [smem:$0x3FAD]  }
0x30: {  	s3 =	sld [smem:$0x3FB0]  }
0x31: {  	[smem:$0x3FB9] =	sst s10  }
0x32: {  	s10 =	sld [smem:$0x3FB7];
	_ =	sdelay $0x3  }
0x33: {  	p0 =	seq.s32 s10, $0x1;
	s10 =	sld [smem:$0x3FB9];
	_ =	sdelay $0x3  }
0x34: {  	[smem:$0x3FB9] =	sst s10  }
0x35: {  	s10 =	sld [smem:$0x3FB8];
	_ =	sdelay $0x3  }
0x36: {  	p1 =	seq.s32 s10, $0x1;
	s10 =	sld [smem:$0x3FB9];
	_ =	sdelay $0x3  }
0x37: {  	[smem:$0x3FB9] =	sst s10  }
0x38: {  	s10 =	sld [smem:$0x3FBA]  }
0x39: {  	_ = 	snop;
	(pc) =	sbr.ind lr, $3  }
0x3a: {  	_ = 	snop  }
0x3b: {  	_ = 	snop  }
0x3c: {  	p2 =	seq.s32 s10, $0x1;
	s10 =	sld [smem:$0x3FB9]  }
0x3d: {  	_ =	shalt  }
0x3e: {  	_ =	shalt  }
0x3f: {  	_ =	shalt  }
0x40: {  	_ =	shalt  }
0x41: {  	_ =	shalt  }
0x42: {  	_ =	shalt  }
0x43: {  	_ =	shalt  }
0x44: {  	_ =	shalt  }
0x45: {  	_ =	shalt  }
0x46: {  	_ =	shalt  }
0x47: {  	_ =	shalt  }
0x48: {  	_ =	shalt  }
0x49: {  	_ =	shalt  }
0x4a: {  	_ =	shalt  }
0x4b: {  	_ =	shalt  }
0x4c: {  	_ =	shalt  }
0x4d: {  	_ =	shalt  }
0x4e: {  	_ =	shalt  }
0x4f: {  	_ =	shalt  }
0x50: {  	_ =	shalt  }
0x51: {  	_ =	shalt  }
0x52: {  	_ =	shalt  }
0x53: {  	_ =	shalt  }
0x54: {  	_ =	shalt  }
0x55: {  	_ =	shalt  }
0x56: {  	_ =	shalt  }
0x57: {  	_ =	shalt  }
0x58: {  	_ =	shalt  }
0x59: {  	_ =	shalt  }
0x5a: {  	_ =	shalt  }
0x5b: {  	_ =	shalt  }
0x5c: {  	_ =	shalt  }
0x5d: {  	_ =	shalt  }
0x5e: {  	_ =	shalt  }
0x5f: {  	_ =	shalt  }
0x60: {  	_ =	shalt  }
0x61: {  	_ =	shalt  }
0x62: {  	_ =	shalt  }
0x63: {  	_ =	shalt  }
0x64: {  	_ =	shalt  }
0x65: {  	_ =	shalt  }
0x66: {  	_ =	shalt  }
0x67: {  	_ =	shalt  }
0x68: {  	_ =	shalt  }
0x69: {  	_ =	shalt  }
0x6a: {  	_ =	shalt  }
0x6b: {  	_ =	shalt  }
0x6c: {  	_ =	shalt  }
0x6d: {  	_ =	shalt  }
0x6e: {  	_ =	shalt  }
0x6f: {  	_ =	shalt  }
0x70: {  	_ =	shalt  }
0x71: {  	_ =	shalt  }
0x72: {  	_ =	shalt  }
0x73: {  	_ =	shalt  }
0x74: {  	_ =	shalt  }
0x75: {  	_ =	shalt  }
0x76: {  	_ =	shalt  }
0x77: {  	_ =	shalt  }
0x78: {  	_ =	shalt  }
0x79: {  	_ =	shalt  }
0x7a: {  	_ =	shalt  }
0x7b: {  	_ =	shalt  }
0x7c: {  	_ =	shalt  }
0x7d: {  	_ =	shalt  }
0x7e: {  	_ =	shalt  }
0x7f: {  	_ =	shalt  }
0x80: {  	_ =	shalt  }
0x81: {  	_ =	shalt  }
0x82: {  	_ =	shalt  }
0x83: {  	_ =	shalt  }
0x84: {  	_ =	shalt  }
0x85: {  	_ =	shalt  }
0x86: {  	_ =	shalt  }
0x87: {  	_ =	shalt  }
.Lfunc_end0:
.L_simem_size_0:
called_computation_lowered:
.L_overlay_start_0:
0x88: {  	s2 =	sld [smem:$0x3FD9]  }
0x89: {  	s3 =	sld [smem:$0x3FFE];
	_ =	sdelay $0x1  }
0x8a: {  	s1 =	srdreg.scid  }
0x8b: {  	s0 =	sand.u32 $0x1, s1  }
0x8c: {  	s17 =	sshll.u32 s0, $0xA;
	s2 =	sadd.s32 s3, s2  }
0x8d: {  	s2 =	sadd.s32 s2, s17  }
0x8e: {  	[smem:$0x3FC5] =	sst s2  }
0x8f: {  	_ = 	snop  }
0x90: {  	s2 =	sld [smem:$0x3FC8]  }
0x91: {  	s18 =	sld [smem:$0x3FC7]  }
0x92: {  	s4 =	sld [smem:$0x3FD0];
	(tm) =	ssettm $0x1  }
0x93: {  	s5 =	sld [smem:$0x3FFB];
	_ =	sdelay $0x3  }
0x94: {  	_ =	strace s5  }
0x95: {  	s5 =	sld [smem:$0x3FFC];
	_ =	sdelay $0x3  }
0x96: {  	_ =	strace s5  }
0x97: {  	s5 =	sld [smem:$0x3FFD];
	_ =	sdelay $0x3  }
0x98: {  	_ =	strace s5  }
0x99: {  	_ =	strace $0x8FFFFFFF  }
0x9a: {  	s19 =	sld [smem:$0x3FDB];
	_ =	sdelay $0x1  }
0x9b: {  	s6 =	simm.s32 $_scs_section_size  }
0x9c: {  	s7 =	simm.s32 $_size__tile_overlayer_lowered;
	s8 =	simm.s32 $_tile_overlayer_lowered  }
0x9d: {  	s22 =	simm.s32 $0x1BFF;
	s21 =	sshll.u32 s8, $0x1;
	s5 =	sadd.s32 s6, s19  }
0x9e: {  	s9 =	simm.s32 $0x0;
	s20 =	sshll.u32 s7, $0x1;
	s7 =	sadd.s32 s21, s5  }
0x9f: {  	[timem:s9], [sflag:s22] =	dma.local [hbm:s7], s20  }
0xa0: {  	_ =	swait.ge [sflag:s22], s20  }
0xa1: {  	s6 =	ssub.s32 $0x0, s20;
	[sflag:s22] =	ssyncset.done $0x0  }
0xa2: {  	[sflag:s22] =	ssyncadd.s32 s6;
	_ =	sdelay $0x1  }
0xa3: {  	s23 =	simm.s32 $0x1B8B  }
0xa4: {  	_ =	swait.ge [sflag:s23], $0x1  }
0xa5: {  	[sflag:s23] =	ssyncset.done $0x0  }
0xa6: {  	s25 =	simm.s32 $0x1B8E;
	s24 =	sld [smem:$0x3FFE];
	[sflag:s23] =	ssyncadd.s32 $0xFFFFFFFF  }
0xa7: {  	s26 =	simm.s32 $execute0_lowered;
	[smem:$0x3FD2] =	sst s25  }
0xa8: {  	s7 =	sshll.u32 s26, $0x1;
	_ =	strace $0x80000046;
	[dreg:$0x1] =	wrdreg $0xFFFFFFFF  }
0xa9: {  	s28 =	simm.s32 $_size_execute0_lowered;
	s5 =	sadd.s32 s5, s7;
	[dreg:$0x0] =	wrdreg $0x0  }
0xaa: {  	s7 =	sshll.u32 s28, $0x1;
	[dreg:$0x2] =	wrdreg s5  }
0xab: {  	[dreg:$0x3] =	wrdreg s7  }
0xac: {  	[dreg:$0x4] =	wrdreg $0xC0  }
0xad: {  	_ =	task [dreg:s9], $0x5FFFF  }
0xae: {  	[dreg:$0x1] =	wrdreg $0xFFFFFFFF  }
0xaf: {  	[dreg:$0x0] =	wrdreg $0x60  }
0xb0: {  	[dreg:$0x2] =	wrdreg s24  }
0xb1: {  	[dreg:$0x3] =	wrdreg s2  }
0xb2: {  	[dreg:$0x4] =	wrdreg s18  }
0xb3: {  	[dreg:$0x5] =	wrdreg s4  }
0xb4: {  	[dreg:$0x6] =	wrdreg $0x9  }
0xb5: {  	_ =	task.clear_ibuf [dreg:s9], $0x7FFFF;
	_ =	strace $0x90000046  }
0xb6: {  	s29 =	simm.s32 $0x9;
	_ =	strace $0x80000048  }
0xb7: {  	_ =	swait.ge [sflag:s29], $0x1  }
0xb8: {  	[sflag:s29] =	ssyncadd.s32 $0xFFFFFFFF  }
0xb9: {  	_ =	strace $0x90000048  }
0xba: {  	_ =	sfence  }
0xbb: {  	s30 =	sld [smem:$0x0];
	_ =	sdelay $0x2  }
0xbc: {  	s31 =	sshll.u32 s1, $0xD;
	s1 =	sshrl.u32 s1, $0x2  }
0xbd: {  	s3 =	sand.u32 $0x4000, s31;
	s1 =	sadd.s32 s1, s30  }
0xbe: {  	s0 =	sor.u32 s3, s0;
	s1 =	sshll.u32 s1, $0x11  }
0xbf: {  	s0 =	sor.u32 s1, s0  }
0xc0: {  	s0 =	sadd.s32 $0x8F2B, s0  }
0xc1: {  	[sflag:s0] =	ssyncadd.remote.s32 $0x1  }
0xc2: {  	_ =	sfence.sel $0xFFFF  }
0xc3: {  	[dreg:$0x0] =	wrdreg $0xFFFFFFFF;
	(pc) =	sbr.abs _section_cstart, $3  }
0xc4: {  	[dreg:$0x1] =	wrdreg $0xFFFFFFFF  }
0xc5: {  	_ =	task.clear_ibuf [dreg:s9], $0x2FFFF;
	_ =	strace $0x9FFFFFFF  }
0xc6: {  	(tm) =	ssettm $0x7FFFFFFF  }
0xc7: {  	_ =	shalt  }
tec
execute0_lowered:
.L_overlay_start_1:
0x0: {  	(tag) =	ssettag $0x1  }
0x1: {  	s0 =	rddreg [dreg:$0x0]  }
0x2: {  	s1 =	rddreg [dreg:$0x1]  }
0x3: {  	s3 =	rddreg [dreg:$0x2];
	s2 =	srdreg.scid  }
0x4: {  	s5 =	stileid.u32;
	s4 =	rddreg [dreg:$0x3];
	s11 =	simm.s32 $0x3  }
0x5: {  	s12 =	simm.s32 $0x5;
	s13 =	simm.s32 $0xE900;
	s14 =	simm.s32 $0x16900  }
0x6: {  	s15 =	simm.s32 $0x16A80;
	s16 =	simm.s32 $0x80;
	s18 =	simm.s32 $0xE880  }
0x7: {  	s19 =	simm.s32 $0x12900;
	s2 =	sand.u32 $0x1, s2;
	s6 =	sshll.u32 s5, $0x1  }
0x8: {  	s20 =	simm.s32 $0x1;
	s21 =	simm.s32 $0x6500;
	s7 =	sor.u32 s2, s6  }
0x9: {  	s22 =	simm.s32 $0xE500;
	s2 =	ssub.s32 $0x2, s2;
	s6 =	smul.u32 $0xC80, s7  }
.Ltmp0:
0xa: {  	s5 =	simm.s32 $0x0;
	s8 =	sshrl.u32 s2, $0x1;
	(pc) =	sbr.rel .LBB2_1-.Ltmp0, $4  }
0xb: {  	s23 =	simm.s32 $0xE680;
	[smem:$0x7FF] =	sst s5;
	s2 =	ssub.s32 s2, s8  }
0xc: {  	_ =	strace $0x80000047;
	s0 =	sadd.s32 s6, s0;
	s31 =	smax.u32 s2, $0x1  }
0xd: {  	s8 =	smul.u32 $0x320000, s7;
	s0 =	sadd.s32 $0x400, s0;
	[dreg:$0x6] =	wrdreg s31  }
0xe: {  	v0 =	vlaneseq.u32;
	v1 =	vimm.s32 $0x0;
	s6 =	smul.u32 $0x6400, s7;
	s2 =	simm.s32 $0x0;
	[dreg:$0x5] =	wrdreg s0  }
.LBB2_28:
0xf: {  	s2 =	rddreg [dreg:$0x7]  }
0x10: {  	s0 =	rddreg [dreg:$0x6];
	s2 =	sadd.s32 $0x1, s2  }
0x11: {  	p0 =	sne.s32 s2, s0  }
.Ltmp1:
0x12: {  	_ = 	snop;
	(pc) =	sbr.rel @!p0 .LBB2_29-.Ltmp1, $1  }
0x13: {  	_ =	sdelay $0x3  }
.LBB2_1:
0x14: {  	[dreg:$0x7] =	wrdreg s2  }
.Ltmp2:
0x15: {  	s0 =	rddreg [dreg:$0x5];
	s28 =	simm.s32 $0x6;
	(pc) =	sbr.rel .LBB2_2-.Ltmp2, $4  }
0x16: {  	[tilespmem:s5], [sflag:$0x6] =	stream.linear.gather [hbm4b:s0+s5], $0x6400, $0x38;
	[tilespmem:$0x16C00] =	vst v63  }
0x17: {  	_ =	swait.ge [sflag:s28], $0x6400  }
0x18: {  	s29 =	simm.s32 $0x100;
	s30 =	simm.s32 $0x0;
	[sflag:s28] =	ssyncset.done $0x0  }
0x19: {  	s2 =	simm.s32 $0x0;
	s31 =	simm.s32 $0x0;
	[sflag:s28] =	ssyncadd.s32 $0xFFFF9C00  }
.LBB2_26:
0x1a: {  	[sflag:s12] =	ssyncadd.s32 $0xFFFFFF80  }
.LBB2_27:
0x1b: {  	s0 =	sshll.u32 s31, $0x10  }
0x1c: {  	s0 =	sadd.s32 s8, s0  }
0x1d: {  	s31 =	sadd.s32 $0x1, s31;
	s0 =	sshrl.u32 s0, $0x3  }
0x1e: {  	s30 =	sadd.s32 $0x200, s30;
	s29 =	sadd.s32 $0x200, s29;
	s0 =	sadd.s32 s4, s0  }
0x1f: {  	[hbm4b:s0+s5] =	stream.linear.scatter [tilespmem:s21], [sflag:$0x2], $0x8000, $0x38;
	[tilespmem:$0x16C00] =	vst v63  }
.LBB2_2:
0x20: {  	p0 =	seq.s32 s31, $0x0  }
0x21: {  	p1 =	seq.s32 @!p0 s31, $0x32  }
0x22: {  	p1 =	por p0, !p1  }
.Ltmp3:
0x23: {  	_ = 	snop;
	(pc) =	sbr.rel @p1 .LBB2_4-.Ltmp3, $4  }
0x24: {  	s0 =	simm.s32 @!p0 $0x2  }
0x25: {  	_ =	swait.ge @!p0 [sflag:s0], $0x8000  }
0x26: {  	[sflag:s0] =	ssyncset.done @!p0 $0x0  }
0x27: {  	s7 =	sshll.u32 s31, $0x1;
	[sflag:s0] =	ssyncadd.s32 @!p0 $0xFFFF8000  }
.Ltmp4:
0x28: {  	(pc) =	sbr.rel .LBB2_9-.Ltmp4, $2  }
0x29: {  	_ =	sdelay $0x2  }
0x2a: {  	s0 =	simm.s32 @!p0 $0x0;
	s9 =	simm.s32 @!p0 $0x63  }
.LBB2_4:
0x2b: {  	v4 =	vld [tilespmem:s30+$0x0];
	_ =	sdelay $0x4  }
0x2c: {  	vm0 =	vlt.s32 v4, $0x3E8  }
0x2d: {  	v5 =	vsel vm0, $0x1, v1  }
0x2e: {  	(xrf0) =	vadd.scan.msk.s32 $0xffff, v5;
	_ =	sdelay $0x2  }
0x2f: {  	s0 =	sshll.u32 s31, $0x9;
	s9 =	simm.s32 $0x0  }
0x30: {  	s0 =	sadd.s32 s6, s0;
	v5 =	vmov s9  }
0x31: {  	v2 =	vmov s0;
	v5 =	vadd.s32 $0xFFFFFFFF, v5  }
0x32: {  	v3 =	vand.u32 $0xFE7F, v2;
	v5 =	vbroadcast v5, $0x0;
	v6, _, _ =	vpop (xrf0)  }
0x33: {  	v3 =	vbroadcast v3, $0x0;
	(v2sf) =	vpush v6, $0xF  }
0x34: {  	v5 =	vadd.s32 v6, v5  }
0x35: {  	v3 =	vor.u32 v0, v3  }
0x36: {  	v7 =	vadd.s32 $0xFFFFFC18, v4;
	v6 =	vor.u32 s9, v3  }
0x37: {  	s0 =	simm.s32 $0x6400;
	v6 =	vsel vm0, v6, v7  }
0x38: {  	v7 =	vor.u32 s9, v0;
	[tilespmem:s0+$0x0] =	vst v6  }
0x39: {  	[tilespmem:v5+s22+$0x0] =	vst.idx.msk vm0, v7  }
0x3a: {  	s24 =	sadd.s32 $0x10, s30;
	[tilespmem:v5+s23+$0x0] =	vst.idx.msk vm0, v4  }
0x3b: {  	v4 =	vld [tilespmem:s24+$0x0];
	_ =	sdelay $0x4  }
0x3c: {  	s10 =	simm.s32 $0x10;
	vm0 =	vlt.s32 v4, $0x3E8  }
0x3d: {  	v5 =	vor.u32 s10, v3;
	v6 =	vadd.s32 $0xFFFFFC18, v4;
	v7 =	vsel vm0, $0x1, v1  }
0x3e: {  	s28 =	simm.s32 $0x20;
	v5 =	vsel vm0, v5, v6;
	(xrf0) =	vadd.scan.msk.s32 $0xffff, v7;
	s25 =	spop (v2sf)  }
.LBB2_5:
0x3f: {  	s9 =	sadd.s32 s9, s25  }
0x40: {  	s0 =	sadd.s32 $0x10, s0;
	s25 =	smov.u32 s28;
	s26 =	sadd.s32 $0x10, s28  }
0x41: {  	p2 =	seq.s32 s28, $0x70;
	v6 =	vmov s9  }
0x42: {  	v6 =	vadd.s32 $0xFFFFFFFF, v6  }
0x43: {  	v6 =	vbroadcast v6, $0x0  }
0x44: {  	v7, _, _ =	vpop (xrf0)  }
0x45: {  	v6 =	vadd.s32 v7, v6;
	(v2sf) =	vpush v7, $0xF;
	_ =	sdelay $0x3  }
0x46: {  	v7 =	vor.u32 s10, v0;
	s10 =	smov.u32 s25;
	[tilespmem:s0+$0x0] =	vst v5  }
0x47: {  	[tilespmem:v6+s22+$0x0] =	vst.idx.msk vm0, v7  }
0x48: {  	s24 =	sadd.s32 $0x10, s24;
	[tilespmem:v6+s23+$0x0] =	vst.idx.msk vm0, v4  }
0x49: {  	v4 =	vld [tilespmem:s24+$0x0];
	_ =	sdelay $0x3  }
.Ltmp5:
0x4a: {  	(pc) =	sbr.rel @!p2 .LBB2_5-.Ltmp5, $4  }
0x4b: {  	v5 =	vor.u32 s10, v3;
	vm0 =	vlt.s32 v4, $0x3E8;
	v6 =	vadd.s32 $0xFFFFFC18, v4  }
0x4c: {  	v5 =	vsel vm0, v5, v6;
	v6 =	vsel vm0, $0x1, v1  }
0x4d: {  	(xrf0) =	vadd.scan.msk.s32 $0xffff, v6  }
0x4e: {  	s28 =	smov.u32 s26;
	s25 =	spop (v2sf)  }
0x4f: {  	s9 =	sadd.s32 s9, s25  }
0x50: {  	v6 =	vmov s9  }
0x51: {  	v6 =	vadd.s32 $0xFFFFFFFF, v6  }
0x52: {  	v6 =	vbroadcast v6, $0x0  }
0x53: {  	v3, _, _ =	vpop (xrf0)  }
0x54: {  	(v2sf) =	vpush v3, $0xF;
	v3 =	vadd.s32 v3, v6;
	_ =	sdelay $0x2  }
0x55: {  	s0 =	sadd.s32 $0x10, s0  }
0x56: {  	s24 =	simm.s32 $0x80;
	[tilespmem:s0+$0x0] =	vst v5;
	v6 =	vor.u32 s10, v0  }
0x57: {  	s17 =	sand.u32 $0x3FFFFF80, s24;
	[tilespmem:v3+s22+$0x0] =	vst.idx.msk vm0, v6  }
0x58: {  	s26 =	sadd.s32 s17, s30;
	[tilespmem:v3+s23+$0x0] =	vst.idx.msk vm0, v4  }
0x59: {  	v3 =	vld [tilespmem:s26+$0x0];
	_ =	sdelay $0x4  }
0x5a: {  	vm0 =	vlt.s32 v3, $0x3E8  }
0x5b: {  	v4 =	vsel vm0, $0x1, v1  }
0x5c: {  	(xrf0) =	vadd.scan.msk.s32 $0xffff, v4;
	_ =	sdelay $0x1  }
0x5d: {  	s10 =	spop (v2sf)  }
0x5e: {  	s0 =	sadd.s32 s9, s10  }
0x5f: {  	v4 =	vmov s0  }
0x60: {  	v4 =	vadd.s32 $0xFFFFFFFF, v4  }
0x61: {  	v2 =	vand.u32 $0xFEFF, v2;
	v4 =	vbroadcast v4, $0x0;
	v5, _, _ =	vpop (xrf0)  }
0x62: {  	v2 =	vbroadcast v2, $0x0;
	(v2sf) =	vpush v5, $0xF  }
0x63: {  	v4 =	vadd.s32 v5, v4  }
0x64: {  	v2 =	vor.u32 v0, v2  }
0x65: {  	v6 =	vadd.s32 $0xFFFFFC18, v3;
	v5 =	vor.u32 s24, v2  }
0x66: {  	s17 =	sadd.s32 $0x6400, s17;
	v5 =	vsel vm0, v5, v6  }
0x67: {  	s10 =	simm.s32 $0x90;
	v6 =	vor.u32 s24, v0;
	[tilespmem:s17+$0x0] =	vst v5  }
0x68: {  	s28 =	sand.u32 $0x3FFFFF80, s10;
	s24 =	sadd.s32 $0x10, s30;
	[tilespmem:v4+s22+$0x0] =	vst.idx.msk vm0, v6  }
0x69: {  	s26 =	sadd.s32 s28, s24;
	[tilespmem:v4+s23+$0x0] =	vst.idx.msk vm0, v3  }
0x6a: {  	v3 =	vld [tilespmem:s26+$0x0];
	_ =	sdelay $0x4  }
0x6b: {  	vm0 =	vlt.s32 v3, $0x3E8  }
0x6c: {  	v4 =	vor.u32 s10, v2;
	v5 =	vadd.s32 $0xFFFFFC18, v3;
	v6 =	vsel vm0, $0x1, v1  }
0x6d: {  	s25 =	simm.s32 $0xA0;
	s9 =	simm.s32 $0x6400;
	v4 =	vsel vm0, v4, v5;
	(xrf0) =	vadd.scan.msk.s32 $0xffff, v6;
	s26 =	spop (v2sf)  }
.LBB2_7:
0x6e: {  	s0 =	sadd.s32 s0, s26  }
0x6f: {  	s9 =	sadd.s32 $0x10, s9;
	s26 =	smov.u32 s25;
	s17 =	sadd.s32 $0x10, s25  }
0x70: {  	p2 =	sne.s32 s25, $0xF0;
	v5 =	vmov s0  }
0x71: {  	v5 =	vadd.s32 $0xFFFFFFFF, v5  }
0x72: {  	v5 =	vbroadcast v5, $0x0  }
0x73: {  	v6, _, _ =	vpop (xrf0)  }
0x74: {  	v5 =	vadd.s32 v6, v5;
	(v2sf) =	vpush v6, $0xF;
	_ =	sdelay $0x2  }
0x75: {  	s25 =	sadd.s32 s28, s9  }
0x76: {  	v6 =	vor.u32 s10, v0;
	s10 =	smov.u32 s26;
	[tilespmem:s25+$0x0] =	vst v4  }
0x77: {  	s24 =	sadd.s32 $0x10, s24;
	s28 =	sand.u32 $0x3FFFFF80, s10;
	[tilespmem:v5+s22+$0x0] =	vst.idx.msk vm0, v6  }
0x78: {  	s25 =	sadd.s32 s28, s24;
	[tilespmem:v5+s23+$0x0] =	vst.idx.msk vm0, v3  }
0x79: {  	v3 =	vld [tilespmem:s25+$0x0];
	_ =	sdelay $0x3  }
.Ltmp6:
0x7a: {  	(pc) =	sbr.rel @p2 .LBB2_7-.Ltmp6, $4  }
0x7b: {  	v4 =	vor.u32 s10, v2;
	vm0 =	vlt.s32 v3, $0x3E8;
	v5 =	vadd.s32 $0xFFFFFC18, v3  }
0x7c: {  	v4 =	vsel vm0, v4, v5;
	v5 =	vsel vm0, $0x1, v1  }
0x7d: {  	(xrf0) =	vadd.scan.msk.s32 $0xffff, v5  }
0x7e: {  	s25 =	smov.u32 s17;
	s26 =	spop (v2sf)  }
0x7f: {  	_ =	sdelay $0x3  }
0x80: {  	s0 =	sadd.s32 s0, s26;
	v2, _, _ =	vpop (xrf0)  }
0x81: {  	v5 =	vmov s0;
	(v2sf) =	vpush v2, $0xF  }
0x82: {  	v5 =	vadd.s32 $0xFFFFFFFF, v5  }
0x83: {  	v5 =	vbroadcast v5, $0x0;
	_ =	sdelay $0x1  }
0x84: {  	v2 =	vadd.s32 v2, v5;
	_ =	sdelay $0x1  }
0x85: {  	s9 =	sadd.s32 $0x10, s9  }
0x86: {  	s9 =	sadd.s32 s28, s9  }
0x87: {  	v63 =	vor.u32 s10, v0;
	[tilespmem:s9+$0x0] =	vst v4  }
0x88: {  	s9 =	sadd.s32 $0xFFFFFFFF, s7;
	[tilespmem:v2+s22+$0x0] =	vst.idx.msk vm0, v63  }
0x89: {  	s24 =	simm.s32 $0x6400;
	p2 =	sgt.u32 s9, $0x63;
	[tilespmem:v2+s23+$0x0] =	vst.idx.msk vm0, v3  }
0x8a: {  	[tilespmem:s21], [sflag:$0x1] =	stream.indirect.gather [hbm4b:s3+s16], $0x80, s24, s16, $0xb8;
	[tilespmem:$0x16C00] =	vst v63  }
.Ltmp7:
0x8b: {  	_ = 	snop;
	(pc) =	sbr.rel @p2 .LBB2_16-.Ltmp7, $4  }
0x8c: {  	s25 =	simm.s32 $0x6480;
	s26 =	simm.s32 $0xA500  }
0x8d: {  	[tilespmem:s26], [sflag:$0x1] =	stream.indirect.gather [hbm4b:s3+s16], $0x80, s25, s16, $0xb8;
	[tilespmem:$0x16C00] =	vst v63  }
0x8e: {  	s28 =	spop (v2sf)  }
0x8f: {  	s0 =	sadd.s32 s0, s28  }
.LBB2_9:
0x90: {  	_ =	swait.ge [sflag:s11], $0x4000;
	p2 =	slt.s32 s2, $0x1  }
.Ltmp8:
0x91: {  	[sflag:s11] =	ssyncset.done $0x0;
	(pc) =	sbr.rel @p2 .LBB2_15-.Ltmp8, $4  }
0x92: {  	[sflag:s11] =	ssyncadd.s32 $0xFFFFC000  }
0x93: {  	_ =	swait.ge [sflag:s11], $0x4000  }
0x94: {  	[sflag:s11] =	ssyncset.done $0x0  }
0x95: {  	[sflag:s11] =	ssyncadd.s32 $0xFFFFC000  }
0x96: {  	p2 =	sne.s32 s2, $0x1  }
.Ltmp9:
0x97: {  	_ = 	snop;
	(pc) =	sbr.rel @!p2 .LBB2_12-.Ltmp9, $4  }
0x98: {  	_ = 	snop  }
0x99: {  	s10 =	simm.s32 $0x16900  }
0x9a: {  	s24 =	simm.s32 $0x16A80;
	v2 =	vld [tilespmem:s10+$0x0]  }
0x9b: {  	s28 =	sadd.s32 $0xFFFFFFFF, s2;
	v3 =	vld [tilespmem:s24+$0x0]  }
.LBB2_11:
0x9c: {  	p3 =	sne.s32 s28, $0x1;
	_ =	sdelay $0x2  }
0x9d: {  	(v2sf) =	vpush v2, $0x0  }
0x9e: {  	(v2sf) =	vpush v3, $0x0;
	_ =	sdelay $0xd  }
0x9f: {  	s17 =	spop (v2sf)  }
0xa0: {  	s25 =	spop (v2sf)  }
0xa1: {  	s17 =	sshll.u32 s17, $0x9;
	s25 =	sshll.u32 s25, $0x4  }
.Ltmp10:
0xa2: {  	s17 =	sshra.s32 s17, $0x2;
	s25 =	sand.u32 $0x1FFFFFF0, s25;
	(pc) =	sbr.rel @p3 .LBB2_11-.Ltmp10, $4  }
0xa3: {  	s10 =	sadd.s32 $0x1, s10;
	s17 =	sadd.s32 $0xE900, s17;
	s25 =	sadd.s32 s1, s25  }
0xa4: {  	[tilespmem:s17], [sflag:$0x5] =	stream.linear.gather [hbm4b:s25+s5], $0x80, $0x38;
	[tilespmem:$0x16C00] =	vst v63  }
0xa5: {  	s24 =	sadd.s32 $0x1, s24;
	v2 =	vld [tilespmem:s10+$0x0]  }
0xa6: {  	s28 =	sadd.s32 $0xFFFFFFFF, s28;
	v3 =	vld [tilespmem:s24+$0x0]  }
.LBB2_12:
0xa7: {  	_ =	sdelay $0x2  }
0xa8: {  	(v2sf) =	vpush v2, $0x0  }
0xa9: {  	(v2sf) =	vpush v3, $0x0;
	_ =	sdelay $0xd  }
0xaa: {  	s10 =	spop (v2sf)  }
0xab: {  	s17 =	spop (v2sf)  }
0xac: {  	s10 =	sshll.u32 s10, $0x9;
	s17 =	sshll.u32 s17, $0x4  }
.Ltmp11:
0xad: {  	s10 =	sshra.s32 s10, $0x2;
	s17 =	sand.u32 $0x1FFFFFF0, s17;
	(pc) =	sbr.rel @!p2 .LBB2_14-.Ltmp11, $4  }
0xae: {  	s10 =	sadd.s32 $0xE900, s10;
	s17 =	sadd.s32 s1, s17  }
0xaf: {  	[tilespmem:s10], [sflag:$0x5] =	stream.linear.gather [hbm4b:s17+s5], $0x80, $0x38;
	[tilespmem:$0x16C00] =	vst v63  }
0xb0: {  	_ =	swait.ge [sflag:s12], $0x80  }
0xb1: {  	s2 =	sadd.s32 $0xFFFFFFFF, s2;
	[sflag:s12] =	ssyncset.done $0x0  }
.LBB2_13:
0xb2: {  	p2 =	sne.s32 s2, $0x1;
	s2 =	sadd.s32 $0xFFFFFFFF, s2;
	[sflag:s12] =	ssyncadd.s32 $0xFFFFFF80  }
.Ltmp12:
0xb3: {  	(pc) =	sbr.rel @p2 .LBB2_13-.Ltmp12, $3  }
0xb4: {  	_ =	sdelay $0x1  }
0xb5: {  	_ =	swait.ge [sflag:s12], $0x80  }
0xb6: {  	[sflag:s12] =	ssyncset.done $0x0  }
.LBB2_14:
0xb7: {  	[sflag:s12] =	ssyncadd.s32 $0xFFFFFF80  }
.LBB2_15:
0xb8: {  	s2 =	sshll.u32 s9, $0xF  }
0xb9: {  	s2 =	sadd.s32 s8, s2  }
0xba: {  	s2 =	sshrl.u32 s2, $0x3  }
0xbb: {  	s2 =	sadd.s32 s4, s2  }
0xbc: {  	[hbm4b:s2+s5] =	stream.linear.scatter [tilespmem:s13], [sflag:$0x4], $0x8000, $0x38;
	[tilespmem:$0x16C00] =	vst v63  }
.LBB2_16:
.Ltmp13:
0xbd: {  	(pc) =	sbr.rel @!p1 .LBB2_28-.Ltmp13, $4  }
0xbe: {  	s2 =	simm.s32 @!p0 $0x4  }
0xbf: {  	_ =	swait.ge @!p0 [sflag:s2], $0x8000  }
0xc0: {  	[sflag:s2] =	ssyncset.done @!p0 $0x0  }
0xc1: {  	[sflag:s2] =	ssyncadd.s32 @!p0 $0xFFFF8000  }
0xc2: {  	v4 =	vld [tilespmem:s29+$0x0];
	_ =	sdelay $0x4  }
0xc3: {  	vm0 =	vlt.s32 v4, $0x3E8  }
0xc4: {  	v5 =	vsel vm0, $0x1, v1  }
0xc5: {  	(xrf0) =	vadd.scan.msk.s32 $0xffff, v5;
	_ =	sdelay $0x1  }
0xc6: {  	s2 =	sor.u32 $0x1, s7  }
0xc7: {  	s7 =	simm.s32 $0x0;
	s2 =	sshll.u32 s2, $0x8  }
0xc8: {  	s2 =	sadd.s32 s6, s2;
	v5 =	vmov s7  }
0xc9: {  	v2 =	vmov s2;
	v5 =	vadd.s32 $0xFFFFFFFF, v5  }
0xca: {  	v3 =	vand.u32 $0xFF7F, v2;
	v5 =	vbroadcast v5, $0x0;
	v6, _, _ =	vpop (xrf0)  }
0xcb: {  	v3 =	vbroadcast v3, $0x0;
	(v2sf) =	vpush v6, $0xF  }
0xcc: {  	v5 =	vadd.s32 v6, v5  }
0xcd: {  	v3 =	vor.u32 v0, v3  }
0xce: {  	v7 =	vadd.s32 $0xFFFFFC18, v4;
	v6 =	vor.u32 s7, v3  }
0xcf: {  	s2 =	simm.s32 $0xE800;
	v6 =	vsel vm0, v6, v7  }
0xd0: {  	v7 =	vor.u32 s7, v0;
	[tilespmem:s2+$0x0] =	vst v6  }
0xd1: {  	[tilespmem:v5+s14+$0x0] =	vst.idx.msk vm0, v7  }
0xd2: {  	s10 =	sadd.s32 $0x10, s29;
	[tilespmem:v5+s15+$0x0] =	vst.idx.msk vm0, v4  }
0xd3: {  	v4 =	vld [tilespmem:s10+$0x0];
	_ =	sdelay $0x4  }
0xd4: {  	s9 =	simm.s32 $0x10;
	vm0 =	vlt.s32 v4, $0x3E8  }
0xd5: {  	v5 =	vor.u32 s9, v3;
	v6 =	vadd.s32 $0xFFFFFC18, v4;
	v7 =	vsel vm0, $0x1, v1  }
0xd6: {  	s24 =	simm.s32 $0x20;
	v5 =	vsel vm0, v5, v6;
	(xrf0) =	vadd.scan.msk.s32 $0xffff, v7;
	s25 =	spop (v2sf)  }
.LBB2_18:
0xd7: {  	s7 =	sadd.s32 s7, s25  }
0xd8: {  	s2 =	sadd.s32 $0x10, s2;
	s17 =	smov.u32 s24;
	s26 =	sadd.s32 $0x10, s24  }
0xd9: {  	p0 =	seq.s32 s24, $0x70;
	v6 =	vmov s7  }
0xda: {  	v6 =	vadd.s32 $0xFFFFFFFF, v6  }
0xdb: {  	v6 =	vbroadcast v6, $0x0  }
0xdc: {  	v7, _, _ =	vpop (xrf0)  }
0xdd: {  	v6 =	vadd.s32 v7, v6;
	(v2sf) =	vpush v7, $0xF;
	_ =	sdelay $0x3  }
0xde: {  	v7 =	vor.u32 s9, v0;
	s9 =	smov.u32 s17;
	[tilespmem:s2+$0x0] =	vst v5  }
0xdf: {  	[tilespmem:v6+s14+$0x0] =	vst.idx.msk vm0, v7  }
0xe0: {  	s10 =	sadd.s32 $0x10, s10;
	[tilespmem:v6+s15+$0x0] =	vst.idx.msk vm0, v4  }
0xe1: {  	v4 =	vld [tilespmem:s10+$0x0];
	_ =	sdelay $0x3  }
.Ltmp14:
0xe2: {  	(pc) =	sbr.rel @!p0 .LBB2_18-.Ltmp14, $4  }
0xe3: {  	v5 =	vor.u32 s9, v3;
	vm0 =	vlt.s32 v4, $0x3E8;
	v6 =	vadd.s32 $0xFFFFFC18, v4  }
0xe4: {  	v5 =	vsel vm0, v5, v6;
	v6 =	vsel vm0, $0x1, v1  }
0xe5: {  	(xrf0) =	vadd.scan.msk.s32 $0xffff, v6  }
0xe6: {  	s24 =	smov.u32 s26;
	s25 =	spop (v2sf)  }
0xe7: {  	_ =	sdelay $0x3  }
0xe8: {  	v3, _, _ =	vpop (xrf0)  }
0xe9: {  	(v2sf) =	vpush v3, $0xF;
	_ =	sdelay $0x4  }
0xea: {  	s7 =	sadd.s32 s7, s25  }
0xeb: {  	v6 =	vmov s7  }
0xec: {  	v6 =	vadd.s32 $0xFFFFFFFF, v6  }
0xed: {  	v6 =	vbroadcast v6, $0x0;
	_ =	sdelay $0x1  }
0xee: {  	v3 =	vadd.s32 v3, v6;
	_ =	sdelay $0x2  }
0xef: {  	s2 =	sadd.s32 $0x10, s2  }
0xf0: {  	s10 =	simm.s32 $0x80;
	[tilespmem:s2+$0x0] =	vst v5;
	v6 =	vor.u32 s9, v0  }
0xf1: {  	s24 =	sand.u32 $0x3FFFFF80, s10;
	[tilespmem:v3+s14+$0x0] =	vst.idx.msk vm0, v6;
	s17 =	spop (v2sf)  }
0xf2: {  	[tilespmem:v3+s15+$0x0] =	vst.idx.msk vm0, v4;
	s2 =	sadd.s32 s7, s17;
	s17 =	sadd.s32 s24, s29  }
0xf3: {  	v3 =	vld [tilespmem:s17+$0x0];
	_ =	sdelay $0x4  }
0xf4: {  	vm0 =	vlt.s32 v3, $0x3E8  }
0xf5: {  	v4 =	vsel vm0, $0x1, v1  }
0xf6: {  	(xrf0) =	vadd.scan.msk.s32 $0xffff, v4;
	_ =	sdelay $0x3  }
0xf7: {  	v4 =	vmov s2  }
0xf8: {  	v4 =	vadd.s32 $0xFFFFFFFF, v4  }
0xf9: {  	v2 =	vand.u32 $0xFFFF, v2;
	v4 =	vbroadcast v4, $0x0;
	v5, _, _ =	vpop (xrf0)  }
0xfa: {  	v2 =	vbroadcast v2, $0x0;
	(v2sf) =	vpush v5, $0xF  }
0xfb: {  	v4 =	vadd.s32 v5, v4  }
0xfc: {  	v2 =	vor.u32 v0, v2  }
0xfd: {  	v6 =	vadd.s32 $0xFFFFFC18, v3;
	v5 =	vor.u32 s10, v2  }
0xfe: {  	s25 =	sadd.s32 $0xE800, s24;
	v5 =	vsel vm0, v5, v6  }
0xff: {  	s9 =	simm.s32 $0x90;
	v6 =	vor.u32 s10, v0;
	[tilespmem:s25+$0x0] =	vst v5  }
0x100: {  	s24 =	sadd.s32 $0x10, s29;
	s10 =	sand.u32 $0x3FFFFF80, s9;
	[tilespmem:v4+s14+$0x0] =	vst.idx.msk vm0, v6  }
0x101: {  	s26 =	sadd.s32 s10, s24;
	[tilespmem:v4+s15+$0x0] =	vst.idx.msk vm0, v3  }
0x102: {  	v3 =	vld [tilespmem:s26+$0x0];
	_ =	sdelay $0x4  }
0x103: {  	vm0 =	vlt.s32 v3, $0x3E8  }
0x104: {  	v4 =	vor.u32 s9, v2;
	v5 =	vadd.s32 $0xFFFFFC18, v3;
	v6 =	vsel vm0, $0x1, v1  }
0x105: {  	s7 =	simm.s32 $0xE800;
	s25 =	simm.s32 $0xA0;
	v4 =	vsel vm0, v4, v5;
	(xrf0) =	vadd.scan.msk.s32 $0xffff, v6;
	s28 =	spop (v2sf)  }
.LBB2_20:
0x106: {  	s2 =	sadd.s32 s2, s28  }
0x107: {  	s7 =	sadd.s32 $0x10, s7;
	s17 =	smov.u32 s25;
	s26 =	sadd.s32 $0x10, s25  }
0x108: {  	p0 =	sne.s32 s25, $0xF0;
	v5 =	vmov s2  }
0x109: {  	v5 =	vadd.s32 $0xFFFFFFFF, v5  }
0x10a: {  	v5 =	vbroadcast v5, $0x0  }
0x10b: {  	v6, _, _ =	vpop (xrf0)  }
0x10c: {  	v5 =	vadd.s32 v6, v5;
	(v2sf) =	vpush v6, $0xF;
	_ =	sdelay $0x2  }
0x10d: {  	s10 =	sadd.s32 s10, s7  }
0x10e: {  	v6 =	vor.u32 s9, v0;
	s9 =	smov.u32 s17;
	[tilespmem:s10+$0x0] =	vst v4  }
0x10f: {  	s24 =	sadd.s32 $0x10, s24;
	s10 =	sand.u32 $0x3FFFFF80, s9;
	[tilespmem:v5+s14+$0x0] =	vst.idx.msk vm0, v6  }
0x110: {  	s17 =	sadd.s32 s10, s24;
	[tilespmem:v5+s15+$0x0] =	vst.idx.msk vm0, v3  }
0x111: {  	v3 =	vld [tilespmem:s17+$0x0];
	_ =	sdelay $0x3  }
.Ltmp15:
0x112: {  	(pc) =	sbr.rel @p0 .LBB2_20-.Ltmp15, $4  }
0x113: {  	v4 =	vor.u32 s9, v2;
	vm0 =	vlt.s32 v3, $0x3E8;
	v5 =	vadd.s32 $0xFFFFFC18, v3  }
0x114: {  	v4 =	vsel vm0, v4, v5;
	v5 =	vsel vm0, $0x1, v1  }
0x115: {  	(xrf0) =	vadd.scan.msk.s32 $0xffff, v5  }
0x116: {  	s25 =	smov.u32 s26;
	s28 =	spop (v2sf)  }
0x117: {  	_ =	sdelay $0x3  }
0x118: {  	v2, _, _ =	vpop (xrf0)  }
0x119: {  	s2 =	sadd.s32 s2, s28;
	(v2sf) =	vpush v2, $0xF  }
0x11a: {  	v5 =	vmov s2  }
0x11b: {  	v5 =	vadd.s32 $0xFFFFFFFF, v5  }
0x11c: {  	v5 =	vbroadcast v5, $0x0;
	_ =	sdelay $0x1  }
0x11d: {  	v2 =	vadd.s32 v2, v5;
	_ =	sdelay $0x1  }
0x11e: {  	s7 =	sadd.s32 $0x10, s7  }
0x11f: {  	s7 =	sadd.s32 s10, s7  }
0x120: {  	v63 =	vor.u32 s9, v0;
	[tilespmem:s7+$0x0] =	vst v4  }
0x121: {  	[tilespmem:v2+s14+$0x0] =	vst.idx.msk vm0, v63  }
0x122: {  	s26 =	simm.s32 $0xE800;
	[tilespmem:v2+s15+$0x0] =	vst.idx.msk vm0, v3  }
0x123: {  	[tilespmem:s13], [sflag:$0x3] =	stream.indirect.gather [hbm4b:s3+s16], $0x80, s26, s16, $0xb8;
	[tilespmem:$0x16C00] =	vst v63  }
0x124: {  	_ = 	snop  }
0x125: {  	[tilespmem:s19], [sflag:$0x3] =	stream.indirect.gather [hbm4b:s3+s16], $0x80, s18, s16, $0xb8;
	[tilespmem:$0x16C00] =	vst v63  }
0x126: {  	s28 =	spop (v2sf)  }
0x127: {  	p0 =	slt.s32 s0, $0x1;
	_ =	swait.ge [sflag:s20], $0x4000  }
.Ltmp16:
0x128: {  	[sflag:s20] =	ssyncset.done $0x0;
	(pc) =	sbr.rel @p0 .LBB2_27-.Ltmp16, $4  }
0x129: {  	[sflag:s20] =	ssyncadd.s32 $0xFFFFC000  }
0x12a: {  	_ =	swait.ge [sflag:s20], $0x4000  }
0x12b: {  	[sflag:s20] =	ssyncset.done $0x0  }
0x12c: {  	s2 =	sadd.s32 s2, s28;
	[sflag:s20] =	ssyncadd.s32 $0xFFFFC000  }
0x12d: {  	p0 =	sne.s32 s0, $0x1  }
.Ltmp17:
0x12e: {  	_ = 	snop;
	(pc) =	sbr.rel @!p0 .LBB2_24-.Ltmp17, $4  }
0x12f: {  	_ = 	snop  }
0x130: {  	s7 =	simm.s32 $0xE500  }
0x131: {  	s9 =	simm.s32 $0xE680;
	v2 =	vld [tilespmem:s7+$0x0]  }
0x132: {  	s10 =	sadd.s32 $0xFFFFFFFF, s0;
	v3 =	vld [tilespmem:s9+$0x0]  }
.LBB2_23:
0x133: {  	p1 =	sne.s32 s10, $0x1;
	_ =	sdelay $0x2  }
0x134: {  	(v2sf) =	vpush v2, $0x0  }
0x135: {  	(v2sf) =	vpush v3, $0x0;
	_ =	sdelay $0xd  }
0x136: {  	s17 =	spop (v2sf)  }
0x137: {  	s24 =	spop (v2sf)  }
0x138: {  	s17 =	sshll.u32 s17, $0x9;
	s24 =	sshll.u32 s24, $0x4  }
.Ltmp18:
0x139: {  	s17 =	sshra.s32 s17, $0x2;
	s24 =	sand.u32 $0x1FFFFFF0, s24;
	(pc) =	sbr.rel @p1 .LBB2_23-.Ltmp18, $4  }
0x13a: {  	s7 =	sadd.s32 $0x1, s7;
	s17 =	sadd.s32 $0x6500, s17;
	s24 =	sadd.s32 s1, s24  }
0x13b: {  	[tilespmem:s17], [sflag:$0x5] =	stream.linear.gather [hbm4b:s24+s5], $0x80, $0x38;
	[tilespmem:$0x16C00] =	vst v63  }
0x13c: {  	s9 =	sadd.s32 $0x1, s9;
	v2 =	vld [tilespmem:s7+$0x0]  }
0x13d: {  	s10 =	sadd.s32 $0xFFFFFFFF, s10;
	v3 =	vld [tilespmem:s9+$0x0]  }
.LBB2_24:
0x13e: {  	_ =	sdelay $0x2  }
0x13f: {  	(v2sf) =	vpush v2, $0x0  }
0x140: {  	(v2sf) =	vpush v3, $0x0;
	_ =	sdelay $0xd  }
0x141: {  	s7 =	spop (v2sf)  }
0x142: {  	s9 =	spop (v2sf)  }
0x143: {  	s7 =	sshll.u32 s7, $0x9;
	s9 =	sshll.u32 s9, $0x4  }
.Ltmp19:
0x144: {  	s7 =	sshra.s32 s7, $0x2;
	s9 =	sand.u32 $0x1FFFFFF0, s9;
	(pc) =	sbr.rel @!p0 .LBB2_26-.Ltmp19, $4  }
0x145: {  	s7 =	sadd.s32 $0x6500, s7;
	s9 =	sadd.s32 s1, s9  }
0x146: {  	[tilespmem:s7], [sflag:$0x5] =	stream.linear.gather [hbm4b:s9+s5], $0x80, $0x38;
	[tilespmem:$0x16C00] =	vst v63  }
0x147: {  	_ =	swait.ge [sflag:s12], $0x80  }
0x148: {  	s0 =	sadd.s32 $0xFFFFFFFF, s0;
	[sflag:s12] =	ssyncset.done $0x0  }
.LBB2_25:
0x149: {  	p0 =	sne.s32 s0, $0x1;
	s0 =	sadd.s32 $0xFFFFFFFF, s0;
	[sflag:s12] =	ssyncadd.s32 $0xFFFFFF80  }
.Ltmp20:
0x14a: {  	(pc) =	sbr.rel @p0 .LBB2_25-.Ltmp20, $3  }
0x14b: {  	_ =	sdelay $0x1  }
0x14c: {  	_ =	swait.ge [sflag:s12], $0x80  }
0x14d: {  	[sflag:s12] =	ssyncset.done $0x0  }
.Ltmp21:
0x14e: {  	_ = 	snop;
	(pc) =	sbr.rel .LBB2_26-.Ltmp21, $1  }
0x14f: {  	_ =	sdelay $0x3  }
.LBB2_29:
0x150: {  	_ =	sfence.sel $0x180000  }
0x151: {  	[bflag:$0x0] =	sbarrier.arrive $0xFFFF  }
0x152: {  	_ =	strace $0x90000047  }
0x153: {  	s0 =	stileid.u32;
	[bflag:$0x2] =	sbarrier.arrive $0xFFFF  }
0x154: {  	p0 =	sne.s32 s0, $0x0;
	s0 =	rddreg [dreg:$0x4]  }
0x155: {  	s0 =	sadd.s32 @!p0 $0x100000, s0  }
0x156: {  	[sflag:s0] =	ssyncadd.tile.s32 @!p0 $0x1;
	_ =	shalt  }
.Lfunc_end2:
_tile_overlayer_lowered:
.L_overlay_start_2:
0x157: {  	(tag) =	ssettag $0x2  }
0x158: {  	s0 =	rddreg [dreg:$0x0];
	s2 =	stileid.u32  }
0x159: {  	s1 =	rddreg [dreg:$0x1];
	p0 =	sne.s32 s2, $0x0  }
0x15a: {  	s3 =	rddreg [dreg:$0x2];
	[bflag:$0x3] =	sbarrier.arrive $0xFFFF;
	s2 =	simm.s32 @!p0 $0x1C06  }
0x15b: {  	[timem:s3], [sflag:s2] =	dma.local @!p0 [hbm:s0], s1  }
0x15c: {  	s0 =	simm.s32 @!p0 $0x6  }
0x15d: {  	_ =	swait.ge @!p0 [sflag:s0], s1  }
0x15e: {  	s1 =	ssub.s32 @!p0 $0x0, s1;
	[sflag:s0] =	ssyncset.done @!p0 $0x0  }
0x15f: {  	[sflag:s0] =	ssyncadd.s32 @!p0 s1  }
0x160: {  	[bflag:$0x3] =	sbarrier.arrive $0xFFFF  }
0x161: {  	_ =	shalt  }

</sc_bundles>
